<compile_context>
chip_gen: v7x
topology: tpu7x:2x2x1
jax: 0.10.2.dev20260603
libtpu: 0.0.44.dev20260713+nightly
codegen_flags: <defaults>
</compile_context>

<pallas_src>
import jax
import jax.numpy as jnp
from jax import lax
from jax.experimental import pallas as pl
from jax.experimental.pallas import tpu as pltpu
from jax.experimental.pallas import tpu_sc as plsc

N = 100000
E = 3200000
NC = 2
NS = 16
NW = NC * NS
EW = E // NW
CG = 2000
NCHUNK_G = EW // CG
SCW = 80
SROWS = 10
NROWS_S = E // SCW
RW = NROWS_S // NW
NCHUNK_S = RW // SROWS
EPS = 1e-5

NR_E = E // 16
NR_N = N // 16
BLK = 2000
NBLK = NR_E // BLK

def _mesh():
    return plsc.VectorSubcoreMesh(core_axis_name="c", subcore_axis_name="s")


_f32 = jnp.float32
_sc_params = pltpu.CompilerParams(use_tc_tiling_on_sc=False)


def _kron16(w8):
    return jnp.kron(jnp.eye(16, dtype=_f32), w8.astype(_f32))


def _pat8(v8):
    return jnp.tile(jnp.asarray(v8, _f32).reshape(1, 8), (1, 16)).reshape(1, 128)


def _emb8(w, r0, c0):
    z = jnp.zeros((8, 8), _f32)
    return z.at[r0:r0 + w.shape[0], c0:c0 + w.shape[1]].set(w.astype(_f32))


def _k1_body(x_ref, w_ref, b_ref, h_ref):
    h_ref[...] = (
        jnp.dot(x_ref[...], w_ref[...], preferred_element_type=_f32) + b_ref[...]
    )


def _k1(x8, WiK, bip):
    return pl.pallas_call(
        _k1_body,
        out_shape=jax.ShapeDtypeStruct((NR_N, 128), _f32),
    )(x8, WiK, bip)


def _k2_body(h_hbm, dst_hbm, src_hbm, hd_hbm, hs_hbm, h_sh,
             idxd0, idxd1, idxs0, idxs1, rd0, rd1, rs0, rs1,
             gsem, wd0, wd1, ws0, ws1):
    c = lax.axis_index("c")
    s = lax.axis_index("s")
    w = s * NC + c
    idxd = (idxd0, idxd1)
    idxs = (idxs0, idxs1)
    rd = (rd0, rd1)
    rs = (rs0, rs1)
    wd = (wd0, wd1)
    ws = (ws0, ws1)

    @pl.when(s == 0)
    def _():
        pltpu.sync_copy(h_hbm, h_sh)

    plsc.subcore_barrier()

    def chunk(i2, carry):
        for b in range(2):
            i = i2 * 2 + b
            base = pl.multiple_of(w * EW + i * CG, 8)

            @pl.when(i2 > 0)
            def _():
                pltpu.make_async_copy(rd[b], hd_hbm.at[pl.ds(base, CG)], wd[b]).wait()
                pltpu.make_async_copy(rs[b], hs_hbm.at[pl.ds(base, CG)], ws[b]).wait()

            pltpu.sync_copy(dst_hbm.at[pl.ds(base, CG)], idxd[b])
            pltpu.async_copy(h_sh.at[idxd[b]], rd[b], gsem).wait()
            pltpu.async_copy(rd[b], hd_hbm.at[pl.ds(base, CG)], wd[b])
            pltpu.sync_copy(src_hbm.at[pl.ds(base, CG)], idxs[b])
            pltpu.async_copy(h_sh.at[idxs[b]], rs[b], gsem).wait()
            pltpu.async_copy(rs[b], hs_hbm.at[pl.ds(base, CG)], ws[b])
        return carry

    lax.fori_loop(0, NCHUNK_G // 2, chunk, 0)

    base0 = pl.multiple_of(w * EW, 8)
    for b in range(2):
        pltpu.make_async_copy(rd[b], hd_hbm.at[pl.ds(base0, CG)], wd[b]).wait()
        pltpu.make_async_copy(rs[b], hs_hbm.at[pl.ds(base0, CG)], ws[b]).wait()


def _k2(h8, dst, src):
    fn = pl.kernel(
        _k2_body,
        out_type=[
            jax.ShapeDtypeStruct((E, 8), _f32),
            jax.ShapeDtypeStruct((E, 8), _f32),
        ],
        mesh=_mesh(),
        scratch_types=[
            pltpu.VMEM_SHARED((N, 8), _f32),
            pltpu.VMEM((CG,), jnp.int32),
            pltpu.VMEM((CG,), jnp.int32),
            pltpu.VMEM((CG,), jnp.int32),
            pltpu.VMEM((CG,), jnp.int32),
            pltpu.VMEM((CG, 8), _f32),
            pltpu.VMEM((CG, 8), _f32),
            pltpu.VMEM((CG, 8), _f32),
            pltpu.VMEM((CG, 8), _f32),
            pltpu.SemaphoreType.DMA,
            pltpu.SemaphoreType.DMA,
            pltpu.SemaphoreType.DMA,
            pltpu.SemaphoreType.DMA,
            pltpu.SemaphoreType.DMA,
        ],
        compiler_params=_sc_params,
    )
    return fn(h8, dst, src)


def _k3_body(hd_ref, hs_ref, a_ref, b_ref, bm1_ref, st_ref):
    i = pl.program_id(0)

    @pl.when(i == 0)
    def _():
        st_ref[...] = jnp.zeros_like(st_ref)

    hd = hd_ref[...]
    hs = hs_ref[...]
    for g in range(2):
        y = (
            jnp.dot(hd, a_ref[g], preferred_element_type=_f32)
            + jnp.dot(hs, b_ref[g], preferred_element_type=_f32)
            + bm1_ref[0, g]
        )
        st_ref[g, 0:1, :] += jnp.sum(y, axis=0, keepdims=True)
        st_ref[g, 1:2, :] += jnp.sum(y * y, axis=0, keepdims=True)


def _k3(hd8v, hs8v, A8k, B8k, bm1p):
    return pl.pallas_call(
        _k3_body,
        grid=(NBLK,),
        in_specs=[
            pl.BlockSpec((BLK, 128), lambda i: (i, 0)),
            pl.BlockSpec((BLK, 128), lambda i: (i, 0)),
            pl.BlockSpec((2, 128, 128), lambda i: (0, 0, 0)),
            pl.BlockSpec((2, 128, 128), lambda i: (0, 0, 0)),
            pl.BlockSpec((1, 2, 128), lambda i: (0, 0, 0)),
        ],
        out_specs=pl.BlockSpec((2, 2, 128), lambda i: (0, 0, 0)),
        out_shape=jax.ShapeDtypeStruct((2, 2, 128), _f32),
    )(hd8v, hs8v, A8k, B8k, bm1p)


def _k4_body(hd_ref, hs_ref, a_ref, b_ref, bm1_ref, st1_ref, g1_ref, be1_ref,
             c_ref, bm2_ref, t_ref, q_ref, pk_ref,
             x2_ref, mpk_ref, st2_ref):
    i = pl.program_id(0)

    @pl.when(i == 0)
    def _():
        st2_ref[...] = jnp.zeros_like(st2_ref)

    hd = hd_ref[...]
    hs = hs_ref[...]
    T = t_ref[...]
    x2 = jnp.zeros((BLK, 128), _f32) + bm2_ref[...]
    for g in range(2):
        y = (
            jnp.dot(hd, a_ref[g], preferred_element_type=_f32)
            + jnp.dot(hs, b_ref[g], preferred_element_type=_f32)
            + bm1_ref[0, g]
        )
        mean = jnp.dot(st1_ref[g, 0:1, :], T, preferred_element_type=_f32) * (1.0 / E)
        msq = jnp.dot(st1_ref[g, 1:2, :], T, preferred_element_type=_f32) * (1.0 / E)
        var = msq - mean * mean
        a1 = g1_ref[0, g] * lax.rsqrt(var + EPS)
        b1 = jnp.tanh(y * a1 + (be1_ref[0, g] - mean * a1))
        x2 = x2 + jnp.dot(b1, c_ref[g], preferred_element_type=_f32)
    st2_ref[0:1, :] += jnp.sum(x2, axis=0, keepdims=True)
    st2_ref[1:2, :] += jnp.sum(x2 * x2, axis=0, keepdims=True)
    x2_ref[...] = x2
    eq = jnp.where(hd == hs, 1.0, 0.0)
    s8 = jnp.dot(eq, q_ref[...], preferred_element_type=_f32)
    maskf = jnp.where(s8 > 7.5, 0.0, 1.0)
    mpk_ref[...] = jnp.dot(maskf, pk_ref[...], preferred_element_type=_f32)


def _k4(hd8v, hs8v, A8k, B8k, bm1p, st1, g1p, be1p, C8k, bm2p, T8, Q8, PK8):
    return pl.pallas_call(
        _k4_body,
        grid=(NBLK,),
        in_specs=[
            pl.BlockSpec((BLK, 128), lambda i: (i, 0)),
            pl.BlockSpec((BLK, 128), lambda i: (i, 0)),
            pl.BlockSpec((2, 128, 128), lambda i: (0, 0, 0)),
            pl.BlockSpec((2, 128, 128), lambda i: (0, 0, 0)),
            pl.BlockSpec((1, 2, 128), lambda i: (0, 0, 0)),
            pl.BlockSpec((2, 2, 128), lambda i: (0, 0, 0)),
            pl.BlockSpec((1, 2, 128), lambda i: (0, 0, 0)),
            pl.BlockSpec((1, 2, 128), lambda i: (0, 0, 0)),
            pl.BlockSpec((2, 128, 128), lambda i: (0, 0, 0)),
            pl.BlockSpec((1, 128), lambda i: (0, 0)),
            pl.BlockSpec((128, 128), lambda i: (0, 0)),
            pl.BlockSpec((128, 128), lambda i: (0, 0)),
            pl.BlockSpec((128, 16), lambda i: (0, 0)),
        ],
        out_specs=[
            pl.BlockSpec((BLK, 128), lambda i: (i, 0)),
            pl.BlockSpec((BLK, 16), lambda i: (i, 0)),
            pl.BlockSpec((2, 128), lambda i: (0, 0)),
        ],
        out_shape=[
            jax.ShapeDtypeStruct((NR_E, 128), _f32),
            jax.ShapeDtypeStruct((NR_E, 16), _f32),
            jax.ShapeDtypeStruct((2, 128), _f32),
        ],
    )(hd8v, hs8v, A8k, B8k, bm1p, st1, g1p, be1p, C8k, bm2p, T8, Q8, PK8)


def _k5_body(x2_ref, mpk_ref, st2_ref, g2_ref, be2_ref, t_ref, upk_ref,
             sel_ref, one_ref, msg_ref):
    T = t_ref[...]
    mean = jnp.dot(st2_ref[0:1, :], T, preferred_element_type=_f32) * (1.0 / E)
    msq = jnp.dot(st2_ref[1:2, :], T, preferred_element_type=_f32) * (1.0 / E)
    var = msq - mean * mean
    a2 = g2_ref[...] * lax.rsqrt(var + EPS)
    b2 = be2_ref[...] - mean * a2
    t = jnp.tanh(x2_ref[...] * a2 + b2)
    mexp = jnp.dot(mpk_ref[...], upk_ref[...], preferred_element_type=_f32)
    msg_ref[...] = t * mexp * sel_ref[...] + one_ref[...]


def _k5(x2, mpk, st2, g2p, be2p, T8, UPK8, sel03, onep):
    return pl.pallas_call(
        _k5_body,
        grid=(NBLK,),
        in_specs=[
            pl.BlockSpec((BLK, 128), lambda i: (i, 0)),
            pl.BlockSpec((BLK, 16), lambda i: (i, 0)),
            pl.BlockSpec((2, 128), lambda i: (0, 0)),
            pl.BlockSpec((1, 128), lambda i: (0, 0)),
            pl.BlockSpec((1, 128), lambda i: (0, 0)),
            pl.BlockSpec((128, 128), lambda i: (0, 0)),
            pl.BlockSpec((16, 128), lambda i: (0, 0)),
            pl.BlockSpec((1, 128), lambda i: (0, 0)),
            pl.BlockSpec((1, 128), lambda i: (0, 0)),
        ],
        out_specs=pl.BlockSpec((BLK, 128), lambda i: (i, 0)),
        out_shape=jax.ShapeDtypeStruct((NR_E, 128), _f32),
    )(x2, mpk, st2, g2p, be2p, T8, UPK8, sel03, onep)


def _k6_body(msg_hbm, dst_hbm, z8_hbm, acc_out, acc_sh,
             idx0, idx1, msg0, msg1, ss0, ss1):
    c = lax.axis_index("c")
    s = lax.axis_index("s")
    w = s * NC + c
    idx = (idx0, idx1)
    msg = (msg0, msg1)
    ss = (ss0, ss1)

    @pl.when(s == 0)
    def _():
        pltpu.sync_copy(z8_hbm, acc_sh)

    plsc.subcore_barrier()

    def chunk(i, carry):
        rbase = pl.multiple_of(w * RW + i * SROWS, 2)
        pltpu.sync_copy(dst_hbm.at[pl.ds(rbase, SROWS)], idx[0])
        pltpu.sync_copy(msg_hbm.at[pl.ds(rbase, SROWS)], msg[0])
        for j in range(SROWS):
            pltpu.sync_copy(msg[0].at[j], acc_sh.at[idx[0].at[j]], add=True)
        return carry

    lax.fori_loop(0, NCHUNK_S, chunk, 0)

    plsc.subcore_barrier()

    @pl.when(s == 0)
    def _():
        pltpu.sync_copy(acc_sh, acc_out.at[c])


def _k6(msg8, dst):
    msg3 = msg8.reshape(NROWS_S, SCW, 8)
    dst2 = dst.reshape(NROWS_S, SCW)
    z8 = jnp.zeros((N, 8), _f32)
    fn = pl.kernel(
        _k6_body,
        out_type=jax.ShapeDtypeStruct((NC, N, 8), _f32),
        mesh=_mesh(),
        scratch_types=[
            pltpu.VMEM_SHARED((N, 8), _f32),
            pltpu.VMEM((SROWS, SCW), jnp.int32),
            pltpu.VMEM((SROWS, SCW), jnp.int32),
            pltpu.VMEM((SROWS, SCW, 8), _f32),
            pltpu.VMEM((SROWS, SCW, 8), _f32),
            pltpu.SemaphoreType.DMA,
            pltpu.SemaphoreType.DMA,
        ],
        compiler_params=_sc_params,
    )
    return fn(msg3, dst2, z8)


def _k7_body(h_ref, p_ref, selr_ref, selm_ref, cb_ref, sh_ref, u_ref, bu1_ref,
             g1_ref, be1_ref, c2_ref, bu2_ref, g2_ref, be2_ref, wp_ref, bp_ref,
             t_ref, out_ref):
    T = t_ref[...]
    acc = p_ref[0] + p_ref[1]
    cntb = jnp.dot(acc, cb_ref[...], preferred_element_type=_f32)
    inv = 1.0 / jnp.maximum(cntb, 1.0)
    aggr = acc * (selr_ref[...] + selm_ref[...] * (inv - 1.0))
    u8 = h_ref[...] * selr_ref[...] + jnp.dot(
        aggr, sh_ref[...], preferred_element_type=_f32)
    u2 = jnp.zeros((NR_N, 128), _f32) + bu2_ref[...]
    for g in range(2):
        u1 = (
            jnp.dot(u8, u_ref[g], preferred_element_type=_f32) + bu1_ref[0, g]
        )
        mean = jnp.dot(jnp.sum(u1, 0, keepdims=True), T,
                       preferred_element_type=_f32) * (1.0 / N)
        msq = jnp.dot(jnp.sum(u1 * u1, 0, keepdims=True), T,
                      preferred_element_type=_f32) * (1.0 / N)
        var = msq - mean * mean
        a1 = g1_ref[0, g] * lax.rsqrt(var + EPS)
        b1 = jnp.tanh(u1 * a1 + (be1_ref[0, g] - mean * a1))
        u2 = u2 + jnp.dot(b1, c2_ref[g], preferred_element_type=_f32)
    mean = jnp.dot(jnp.sum(u2, 0, keepdims=True), T,
                   preferred_element_type=_f32) * (1.0 / N)
    msq = jnp.dot(jnp.sum(u2 * u2, 0, keepdims=True), T,
                  preferred_element_type=_f32) * (1.0 / N)
    var = msq - mean * mean
    a2 = g2_ref[...] * lax.rsqrt(var + EPS)
    u2n = jnp.tanh(u2 * a2 + (be2_ref[...] - mean * a2))
    out_ref[...] = (
        jnp.dot(u2n, wp_ref[...], preferred_element_type=_f32) + bp_ref[...]
    )


def _k7(h8, P, selr, selm, CB8, SH4, U8k, bu1p, gu1p, beu1p, C28k, bu2p,
        gu2p, beu2p, Wp8, bp8, T8):
    return pl.pallas_call(
        _k7_body,
        out_shape=jax.ShapeDtypeStruct((NR_N, 128), _f32),
    )(h8, P, selr, selm, CB8, SH4, U8k, bu1p, gu1p, beu1p, C28k, bu2p,
      gu2p, beu2p, Wp8, bp8, T8)


@jax.jit
def kernel(pos, vel, edge_index, Wi, bi, Wm1, bm1, gm1, betam1, Wm2, bm2,
           gm2, betam2, Wu1, bu1, gu1, betau1, Wu2, bu2, gu2, betau2, Wp, bp):
    src = edge_index[0]
    dst = edge_index[1]
    z4 = jnp.zeros((4,), _f32)

    T8 = jnp.kron(jnp.ones((16, 16), _f32), jnp.eye(8, dtype=_f32))
    Q8 = _kron16(jnp.ones((8, 8), _f32))
    PK8 = jnp.kron(jnp.eye(16, dtype=_f32),
                   jnp.eye(8, 1, dtype=_f32))
    UPK8 = _kron16(jnp.ones((1, 8), _f32))
    sel03 = _pat8(jnp.array([1, 1, 1, 1, 0, 0, 0, 0], _f32))
    onep = _pat8(jnp.array([0, 0, 0, 0, 1, 0, 0, 0], _f32))

    x8 = jnp.concatenate([pos, vel, jnp.zeros((N, 4), _f32)], axis=1)
    WiK = _kron16(_emb8(Wi, 0, 0))
    bip = _pat8(jnp.concatenate([bi, jnp.array([1, 0, 0, 0], _f32)]))
    h8 = _k1(x8.reshape(NR_N, 128), WiK, bip)

    hd, hs = _k2(h8.reshape(N, 8), dst, src)
    hd8v = hd.reshape(NR_E, 128)
    hs8v = hs.reshape(NR_E, 128)

    A8k = jnp.stack([_kron16(_emb8(Wm1[0:4, 8 * g:8 * g + 8], 0, 0))
                     for g in range(2)])
    B8k = jnp.stack([_kron16(_emb8(Wm1[4:8, 8 * g:8 * g + 8], 0, 0))
                     for g in range(2)])
    C8k = jnp.stack([_kron16(_emb8(Wm2[8 * g:8 * g + 8, :], 0, 0))
                     for g in range(2)])
    bm1p = jnp.stack([_pat8(bm1[8 * g:8 * g + 8]) for g in range(2)], 1)
    g1p = jnp.stack([_pat8(gm1[8 * g:8 * g + 8]) for g in range(2)], 1)
    be1p = jnp.stack([_pat8(betam1[8 * g:8 * g + 8]) for g in range(2)], 1)
    bm2p = _pat8(jnp.concatenate([bm2, z4]))

    st1 = _k3(hd8v, hs8v, A8k, B8k, bm1p)
    x2, mpk, st2 = _k4(hd8v, hs8v, A8k, B8k, bm1p, st1, g1p, be1p, C8k,
                       bm2p, T8, Q8, PK8)
    msg8 = _k5(x2, mpk, st2, _pat8(jnp.concatenate([gm2, z4])),
               _pat8(jnp.concatenate([betam2, z4])), T8, UPK8, sel03, onep)

    P = _k6(msg8.reshape(E, 8), dst)

    selm = _pat8(jnp.array([0, 0, 1, 1, 0, 0, 0, 0], _f32))
    cb8 = jnp.zeros((8, 8), _f32).at[4, :].set(1.0)
    CB8 = _kron16(cb8)
    sh4 = jnp.zeros((8, 8), _f32).at[0:4, 4:8].set(jnp.eye(4, dtype=_f32))
    SH4 = _kron16(sh4)
    U8k = jnp.stack([_kron16(Wu1[:, 8 * g:8 * g + 8]) for g in range(2)])
    bu1p = jnp.stack([_pat8(bu1[8 * g:8 * g + 8]) for g in range(2)], 1)
    gu1p = jnp.stack([_pat8(gu1[8 * g:8 * g + 8]) for g in range(2)], 1)
    beu1p = jnp.stack([_pat8(betau1[8 * g:8 * g + 8]) for g in range(2)], 1)
    C28k = jnp.stack([_kron16(_emb8(Wu2[8 * g:8 * g + 8, :], 0, 0))
                      for g in range(2)])
    Wp8 = _kron16(_emb8(Wp, 0, 0))
    bp8 = _pat8(jnp.concatenate([bp, jnp.zeros((6,), _f32)]))

    out8 = _k7(h8, P.reshape(NC, NR_N, 128), sel03, selm, CB8, SH4, U8k,
               bu1p, gu1p, beu1p, C28k,
               _pat8(jnp.concatenate([bu2, z4])),
               _pat8(jnp.concatenate([gu2, z4])),
               _pat8(jnp.concatenate([betau2, z4])), Wp8, bp8, T8)
    return out8.reshape(N, 8)[:, :2]

# --- scband reference (transcript-rebuilt; emitter-appended) ---
"""Pipeline reference for scband-mpnnflocking-model-53644141527377 (READ-ONLY COPY).

The authoritative reference and input builder live on the scoring server;
editing this copy changes nothing except your own understanding.
"""

import jax, jax.numpy as jnp
import numpy as np

N = 100000
E = 3200000
EMB = 16

def _bn(x, g, b, eps=1e-5):
    m = jnp.mean(x, axis=0)
    v = jnp.var(x, axis=0)
    return (x - m) / jnp.sqrt(v + eps) * g + b

def _lin_params(k, i, o):
    k1, k2 = jax.random.split(k)
    W = jax.random.normal(k1, (i, o), dtype=jnp.float32) * (1.0 / np.sqrt(i))
    bb = jax.random.normal(k2, (o,), dtype=jnp.float32) * 0.1
    return W, bb

def setup_inputs(seed: int = 0):
    key = jax.random.key(seed)
    ks = jax.random.split(key, 12)
    inp = {}
    inp["pos"] = jax.random.normal(ks[0], (N, 2), dtype=jnp.float32)
    inp["vel"] = jax.random.normal(ks[1], (N, 2), dtype=jnp.float32)
    inp["edge_index"] = jax.random.randint(ks[2], (2, E), 0, N, dtype=jnp.int32)
    inp["Wi"], inp["bi"] = _lin_params(ks[3], 4, 4)
    inp["Wm1"], inp["bm1"] = _lin_params(ks[4], 8, EMB)
    inp["gm1"] = jnp.ones((EMB,), jnp.float32); inp["betam1"] = jnp.zeros((EMB,), jnp.float32)
    inp["Wm2"], inp["bm2"] = _lin_params(ks[5], EMB, 4)
    inp["gm2"] = jnp.ones((4,), jnp.float32); inp["betam2"] = jnp.zeros((4,), jnp.float32)
    inp["Wu1"], inp["bu1"] = _lin_params(ks[6], 8, EMB)
    inp["gu1"] = jnp.ones((EMB,), jnp.float32); inp["betau1"] = jnp.zeros((EMB,), jnp.float32)
    inp["Wu2"], inp["bu2"] = _lin_params(ks[7], EMB, 4)
    inp["gu2"] = jnp.ones((4,), jnp.float32); inp["betau2"] = jnp.zeros((4,), jnp.float32)
    inp["Wp"], inp["bp"] = _lin_params(ks[8], 4, 2)
    return inp

def reference(pos, vel, edge_index, Wi, bi, Wm1, bm1, gm1, betam1, Wm2, bm2, gm2, betam2, Wu1, bu1, gu1, betau1, Wu2, bu2, gu2, betau2, Wp, bp):
    # lin_in on cat(pos, vel)
    h = jnp.concatenate([pos, vel], axis=-1) @ Wi + bi
    src = edge_index[0]
    dst = edge_index[1]
    # message: gather endpoint features (h_j = source, h_i = target)
    h_j = jnp.take(h, src, axis=0)
    h_i = jnp.take(h, dst, axis=0)
    x = jnp.concatenate([h_i, h_j], axis=-1) @ Wm1 + bm1
    x = jnp.tanh(_bn(x, gm1, betam1))
    x = x @ Wm2 + bm2
    msg = jnp.tanh(_bn(x, gm2, betam2))
    # zero out self-identical messages: msg[(h_i - h_j == 0).all(dim=1)] = 0
    zero_mask = jnp.all((h_i - h_j) == 0.0, axis=1)
    msg = jnp.where(zero_mask[:, None], 0.0, msg)
    # aggregate: scatter-add on first half, scatter-mean on second half
    add_out = jax.ops.segment_sum(msg[:, :2], dst, num_segments=N)
    mean_sum = jax.ops.segment_sum(msg[:, 2:], dst, num_segments=N)
    cnt = jax.ops.segment_sum(jnp.ones((E,), jnp.float32), dst, num_segments=N)
    mean_out = mean_sum / jnp.maximum(cnt, 1.0)[:, None]
    aggr = jnp.concatenate([add_out, mean_out], axis=1)
    # update
    u = jnp.concatenate([h, aggr], axis=-1) @ Wu1 + bu1
    u = jnp.tanh(_bn(u, gu1, betau1))
    u = u @ Wu2 + bu2
    u = jnp.tanh(_bn(u, gu2, betau2))
    # lin_pred
    return u @ Wp + bp

if __name__ == "__main__":
    import jax
    _d = setup_inputs()
    print(jax.jit(kernel)(*tuple(_d.values())))

</pallas_src>

<mosaic_0001>
#map = affine_map<(d0, d1) -> (0, 0, 0)>
#map1 = affine_map<(d0, d1) -> (0, 0)>
module attributes {stable_mosaic.version = 14 : i64} {
  func.func @_k6_body(%arg0: i32, %arg1: i32, %arg2: memref<40000x80x8xf32, #tpu.memory_space<hbm>>, %arg3: memref<40000x80xi32, #tpu.memory_space<hbm>>, %arg4: memref<100000x8xf32, #tpu.memory_space<hbm>>, %arg5: memref<2x100000x8xf32, #tpu.memory_space<hbm>>, %arg6: memref<100000x8xf32, #tpu.memory_space<vmem_shared>>, %arg7: memref<10x80xi32, #tpu.memory_space<vmem>>, %arg8: memref<10x80xi32, #tpu.memory_space<vmem>>, %arg9: memref<10x80x8xf32, #tpu.memory_space<vmem>>, %arg10: memref<10x80x8xf32, #tpu.memory_space<vmem>>, %arg11: memref<!tpu.dma_semaphore, #tpu.memory_space<semaphore_mem>>, %arg12: memref<!tpu.dma_semaphore, #tpu.memory_space<semaphore_mem>>) attributes {dimension_semantics = [#tpu.dimension_semantics<core_parallel>, #tpu.dimension_semantics<subcore_parallel>], iteration_bounds = array<i64: 2, 16>, scalar_prefetch = 0 : i64, scratch_operands = 7 : i64, tpu.core_type = #tpu.core_type<sc_vector_subcore>, window_params = [{transform_indices = #map}, {transform_indices = #map1}, {transform_indices = #map1}, {transform_indices = #map}]} {
    %mul3A = arith.constant 2 : i32
    %mul3A_0 = arith.muli %arg1, %mul3A : i32
    %add3A = arith.addi %mul3A_0, %arg0 : i32
    %eq3A = arith.constant 0 : i32
    %eq3A_1 = arith.cmpi eq, %arg1, %eq3A : i32
    %convert_element_type3A = arith.extui %eq3A_1 : i1 to i32
    %cond3A = arith.constant 0 : i32
    %cond3A_2 = arith.cmpi ne, %convert_element_type3A, %cond3A : i32
    scf.if %cond3A_2 {
      "tpu.region"() ({
        %run_scoped3A = tpu.sem_alloc : memref<!tpu.dma_semaphore, #tpu.memory_space<semaphore_mem>>
        tpu.enqueue_dma source(%arg4 : memref<100000x8xf32, #tpu.memory_space<hbm>>) target(%arg6 : memref<100000x8xf32, #tpu.memory_space<vmem_shared>>) target_semaphore(%run_scoped3A : memref<!tpu.dma_semaphore, #tpu.memory_space<semaphore_mem>>)
        tpu.wait_dma2 semaphore(%run_scoped3A : memref<!tpu.dma_semaphore, #tpu.memory_space<semaphore_mem>>) src(%arg4 : memref<100000x8xf32, #tpu.memory_space<hbm>>) dst(%arg6 : memref<100000x8xf32, #tpu.memory_space<vmem_shared>>)
        tpu.yield
      }) : () -> ()
    } else {
    }
    %barrier3A = arith.constant 0 : index
    tpu.barrier barrier_id(%barrier3A)
    %scan3A = arith.constant 0 : i32
    %scan3A_3 = arith.constant 0 : i32
    %scan3A_4 = arith.constant 125 : i32
    %scan3A_5 = arith.addi %scan3A_3, %scan3A_4 : i32
    %scan3A_6 = arith.constant 1 : i32
    scf.for %scan3A_14 = %scan3A_3 to %scan3A_5 step %scan3A_6  : i32 {
      %mul3A_15 = arith.constant 1250 : i32
      %mul3A_16 = arith.muli %add3A, %mul3A_15 : i32
      %mul3A_17 = arith.constant 10 : i32
      %mul3A_18 = arith.muli %scan3A_14, %mul3A_17 : i32
      %add3A_19 = arith.addi %mul3A_16, %mul3A_18 : i32
      %multiple_of3A = tpu.assume_multiple %add3A_19, 2 : i32
      "tpu.region"() ({
        %run_scoped3A_39 = tpu.sem_alloc : memref<!tpu.dma_semaphore, #tpu.memory_space<semaphore_mem>>
        %dma_start3A = arith.constant 0 : i32
        %dma_start3A_40 = tpu.memref_slice %arg3[%multiple_of3A, %dma_start3A] : memref<40000x80xi32, #tpu.memory_space<hbm>> -> memref<10x80xi32, #tpu.memory_space<hbm>>
        %dma_start3A_41 = arith.constant 0 : i32
        %dma_start3A_42 = tpu.memref_slice %arg3[%multiple_of3A, %dma_start3A_41] : memref<40000x80xi32, #tpu.memory_space<hbm>> -> memref<10x80xi32, #tpu.memory_space<hbm>>
        tpu.enqueue_dma source(%dma_start3A_42 : memref<10x80xi32, #tpu.memory_space<hbm>>) target(%arg7 : memref<10x80xi32, #tpu.memory_space<vmem>>) target_semaphore(%run_scoped3A_39 : memref<!tpu.dma_semaphore, #tpu.memory_space<semaphore_mem>>)
        %dma_wait3A = arith.constant 0 : i32
        %dma_wait3A_43 = tpu.memref_slice %arg3[%multiple_of3A, %dma_wait3A] : memref<40000x80xi32, #tpu.memory_space<hbm>> -> memref<10x80xi32, #tpu.memory_space<hbm>>
        %dma_wait3A_44 = arith.constant 0 : i32
        %dma_wait3A_45 = tpu.memref_slice %arg3[%multiple_of3A, %dma_wait3A_44] : memref<40000x80xi32, #tpu.memory_space<hbm>> -> memref<10x80xi32, #tpu.memory_space<hbm>>
        tpu.wait_dma2 semaphore(%run_scoped3A_39 : memref<!tpu.dma_semaphore, #tpu.memory_space<semaphore_mem>>) src(%dma_wait3A_45 : memref<10x80xi32, #tpu.memory_space<hbm>>) dst(%arg7 : memref<10x80xi32, #tpu.memory_space<vmem>>)
        tpu.yield
      }) : () -> ()
      "tpu.region"() ({
        %run_scoped3A_39 = tpu.sem_alloc : memref<!tpu.dma_semaphore, #tpu.memory_space<semaphore_mem>>
        %dma_start3A = arith.constant 0 : i32
        %dma_start3A_40 = arith.constant 0 : i32
        %dma_start3A_41 = tpu.memref_slice %arg2[%multiple_of3A, %dma_start3A, %dma_start3A_40] : memref<40000x80x8xf32, #tpu.memory_space<hbm>> -> memref<10x80x8xf32, #tpu.memory_space<hbm>>
        %dma_start3A_42 = arith.constant 0 : i32
        %dma_start3A_43 = arith.constant 0 : i32
        %dma_start3A_44 = tpu.memref_slice %arg2[%multiple_of3A, %dma_start3A_42, %dma_start3A_43] : memref<40000x80x8xf32, #tpu.memory_space<hbm>> -> memref<10x80x8xf32, #tpu.memory_space<hbm>>
        tpu.enqueue_dma source(%dma_start3A_44 : memref<10x80x8xf32, #tpu.memory_space<hbm>>) target(%arg9 : memref<10x80x8xf32, #tpu.memory_space<vmem>>) target_semaphore(%run_scoped3A_39 : memref<!tpu.dma_semaphore, #tpu.memory_space<semaphore_mem>>)
        %dma_wait3A = arith.constant 0 : i32
        %dma_wait3A_45 = arith.constant 0 : i32
        %dma_wait3A_46 = tpu.memref_slice %arg2[%multiple_of3A, %dma_wait3A, %dma_wait3A_45] : memref<40000x80x8xf32, #tpu.memory_space<hbm>> -> memref<10x80x8xf32, #tpu.memory_space<hbm>>
        %dma_wait3A_47 = arith.constant 0 : i32
        %dma_wait3A_48 = arith.constant 0 : i32
        %dma_wait3A_49 = tpu.memref_slice %arg2[%multiple_of3A, %dma_wait3A_47, %dma_wait3A_48] : memref<40000x80x8xf32, #tpu.memory_space<hbm>> -> memref<10x80x8xf32, #tpu.memory_space<hbm>>
        tpu.wait_dma2 semaphore(%run_scoped3A_39 : memref<!tpu.dma_semaphore, #tpu.memory_space<semaphore_mem>>) src(%dma_wait3A_49 : memref<10x80x8xf32, #tpu.memory_space<hbm>>) dst(%arg9 : memref<10x80x8xf32, #tpu.memory_space<vmem>>)
        tpu.yield
      }) : () -> ()
      %run_scoped3A = arith.constant 0 : i32
      %run_scoped3A_20 = arith.constant 0 : i32
      "tpu.region"() ({
        %run_scoped3A_39 = tpu.sem_alloc : memref<!tpu.dma_semaphore, #tpu.memory_space<semaphore_mem>>
        %dma_start3A = arith.constant 0 : i32
        %dma_start3A_40 = arith.constant 0 : i32
        %dma_start3A_41 = tpu.memref_slice %arg9[%run_scoped3A, %dma_start3A, %dma_start3A_40] : memref<10x80x8xf32, #tpu.memory_space<vmem>> -> memref<1x80x8xf32, #tpu.memory_space<vmem>>
        %dma_start3A_42 = tpu.memref_squeeze %dma_start3A_41 : memref<1x80x8xf32, #tpu.memory_space<vmem>> -> memref<80x8xf32, #tpu.memory_space<vmem>>
        %dma_start3A_43 = arith.constant 0 : i32
        %dma_start3A_44 = tpu.memref_slice %arg7[%run_scoped3A_20, %dma_start3A_43] : memref<10x80xi32, #tpu.memory_space<vmem>> -> memref<1x80xi32, #tpu.memory_space<vmem>>
        %dma_start3A_45 = tpu.memref_squeeze %dma_start3A_44 : memref<1x80xi32, #tpu.memory_space<vmem>> -> memref<80xi32, #tpu.memory_space<vmem>>
        %dma_start3A_46 = arith.constant 0 : i32
        %dma_start3A_47 = arith.constant 0 : i32
        %dma_start3A_48 = tpu.memref_slice %arg6[%dma_start3A_46, %dma_start3A_47] : memref<100000x8xf32, #tpu.memory_space<vmem_shared>> -> memref<100000x8xf32, #tpu.memory_space<vmem_shared>>
        tpu.enqueue_indirect_dma source(%dma_start3A_42 : memref<80x8xf32, #tpu.memory_space<vmem>>) target(%dma_start3A_48 : memref<100000x8xf32, #tpu.memory_space<vmem_shared>>) offsets(%dma_start3A_45 : memref<80xi32, #tpu.memory_space<vmem>>) semaphore(%run_scoped3A_39 : memref<!tpu.dma_semaphore, #tpu.memory_space<semaphore_mem>>) {add = true}
        %dma_wait3A = arith.constant 0 : i32
        %dma_wait3A_49 = arith.constant 0 : i32
        %dma_wait3A_50 = tpu.memref_slice %arg9[%run_scoped3A, %dma_wait3A, %dma_wait3A_49] : memref<10x80x8xf32, #tpu.memory_space<vmem>> -> memref<1x80x8xf32, #tpu.memory_space<vmem>>
        %dma_wait3A_51 = tpu.memref_squeeze %dma_wait3A_50 : memref<1x80x8xf32, #tpu.memory_space<vmem>> -> memref<80x8xf32, #tpu.memory_space<vmem>>
        %dma_wait3A_52 = arith.constant 0 : i32
        %dma_wait3A_53 = tpu.memref_slice %arg7[%run_scoped3A_20, %dma_wait3A_52] : memref<10x80xi32, #tpu.memory_space<vmem>> -> memref<1x80xi32, #tpu.memory_space<vmem>>
        %dma_wait3A_54 = tpu.memref_squeeze %dma_wait3A_53 : memref<1x80xi32, #tpu.memory_space<vmem>> -> memref<80xi32, #tpu.memory_space<vmem>>
        %dma_wait3A_55 = arith.constant 0 : i32
        %dma_wait3A_56 = arith.constant 0 : i32
        %dma_wait3A_57 = tpu.memref_slice %arg6[%dma_wait3A_55, %dma_wait3A_56] : memref<100000x8xf32, #tpu.memory_space<vmem_shared>> -> memref<100000x8xf32, #tpu.memory_space<vmem_shared>>
        tpu.wait_indirect_dma semaphore(%run_scoped3A_39 : memref<!tpu.dma_semaphore, #tpu.memory_space<semaphore_mem>>) src(%dma_wait3A_51 : memref<80x8xf32, #tpu.memory_space<vmem>>) dst(%dma_wait3A_57 : memref<100000x8xf32, #tpu.memory_space<vmem_shared>>)
        tpu.yield
      }) : () -> ()
      %run_scoped3A_21 = arith.constant 1 : i32
      %run_scoped3A_22 = arith.constant 1 : i32
      "tpu.region"() ({
        %run_scoped3A_39 = tpu.sem_alloc : memref<!tpu.dma_semaphore, #tpu.memory_space<semaphore_mem>>
        %dma_start3A = arith.constant 0 : i32
        %dma_start3A_40 = arith.constant 0 : i32
        %dma_start3A_41 = tpu.memref_slice %arg9[%run_scoped3A_21, %dma_start3A, %dma_start3A_40] : memref<10x80x8xf32, #tpu.memory_space<vmem>> -> memref<1x80x8xf32, #tpu.memory_space<vmem>>
        %dma_start3A_42 = tpu.memref_squeeze %dma_start3A_41 : memref<1x80x8xf32, #tpu.memory_space<vmem>> -> memref<80x8xf32, #tpu.memory_space<vmem>>
        %dma_start3A_43 = arith.constant 0 : i32
        %dma_start3A_44 = tpu.memref_slice %arg7[%run_scoped3A_22, %dma_start3A_43] : memref<10x80xi32, #tpu.memory_space<vmem>> -> memref<1x80xi32, #tpu.memory_space<vmem>>
        %dma_start3A_45 = tpu.memref_squeeze %dma_start3A_44 : memref<1x80xi32, #tpu.memory_space<vmem>> -> memref<80xi32, #tpu.memory_space<vmem>>
        %dma_start3A_46 = arith.constant 0 : i32
        %dma_start3A_47 = arith.constant 0 : i32
        %dma_start3A_48 = tpu.memref_slice %arg6[%dma_start3A_46, %dma_start3A_47] : memref<100000x8xf32, #tpu.memory_space<vmem_shared>> -> memref<100000x8xf32, #tpu.memory_space<vmem_shared>>
        tpu.enqueue_indirect_dma source(%dma_start3A_42 : memref<80x8xf32, #tpu.memory_space<vmem>>) target(%dma_start3A_48 : memref<100000x8xf32, #tpu.memory_space<vmem_shared>>) offsets(%dma_start3A_45 : memref<80xi32, #tpu.memory_space<vmem>>) semaphore(%run_scoped3A_39 : memref<!tpu.dma_semaphore, #tpu.memory_space<semaphore_mem>>) {add = true}
        %dma_wait3A = arith.constant 0 : i32
        %dma_wait3A_49 = arith.constant 0 : i32
        %dma_wait3A_50 = tpu.memref_slice %arg9[%run_scoped3A_21, %dma_wait3A, %dma_wait3A_49] : memref<10x80x8xf32, #tpu.memory_space<vmem>> -> memref<1x80x8xf32, #tpu.memory_space<vmem>>
        %dma_wait3A_51 = tpu.memref_squeeze %dma_wait3A_50 : memref<1x80x8xf32, #tpu.memory_space<vmem>> -> memref<80x8xf32, #tpu.memory_space<vmem>>
        %dma_wait3A_52 = arith.constant 0 : i32
        %dma_wait3A_53 = tpu.memref_slice %arg7[%run_scoped3A_22, %dma_wait3A_52] : memref<10x80xi32, #tpu.memory_space<vmem>> -> memref<1x80xi32, #tpu.memory_space<vmem>>
        %dma_wait3A_54 = tpu.memref_squeeze %dma_wait3A_53 : memref<1x80xi32, #tpu.memory_space<vmem>> -> memref<80xi32, #tpu.memory_space<vmem>>
        %dma_wait3A_55 = arith.constant 0 : i32
        %dma_wait3A_56 = arith.constant 0 : i32
        %dma_wait3A_57 = tpu.memref_slice %arg6[%dma_wait3A_55, %dma_wait3A_56] : memref<100000x8xf32, #tpu.memory_space<vmem_shared>> -> memref<100000x8xf32, #tpu.memory_space<vmem_shared>>
        tpu.wait_indirect_dma semaphore(%run_scoped3A_39 : memref<!tpu.dma_semaphore, #tpu.memory_space<semaphore_mem>>) src(%dma_wait3A_51 : memref<80x8xf32, #tpu.memory_space<vmem>>) dst(%dma_wait3A_57 : memref<100000x8xf32, #tpu.memory_space<vmem_shared>>)
        tpu.yield
      }) : () -> ()
      %run_scoped3A_23 = arith.constant 2 : i32
      %run_scoped3A_24 = arith.constant 2 : i32
      "tpu.region"() ({
        %run_scoped3A_39 = tpu.sem_alloc : memref<!tpu.dma_semaphore, #tpu.memory_space<semaphore_mem>>
        %dma_start3A = arith.constant 0 : i32
        %dma_start3A_40 = arith.constant 0 : i32
        %dma_start3A_41 = tpu.memref_slice %arg9[%run_scoped3A_23, %dma_start3A, %dma_start3A_40] : memref<10x80x8xf32, #tpu.memory_space<vmem>> -> memref<1x80x8xf32, #tpu.memory_space<vmem>>
        %dma_start3A_42 = tpu.memref_squeeze %dma_start3A_41 : memref<1x80x8xf32, #tpu.memory_space<vmem>> -> memref<80x8xf32, #tpu.memory_space<vmem>>
        %dma_start3A_43 = arith.constant 0 : i32
        %dma_start3A_44 = tpu.memref_slice %arg7[%run_scoped3A_24, %dma_start3A_43] : memref<10x80xi32, #tpu.memory_space<vmem>> -> memref<1x80xi32, #tpu.memory_space<vmem>>
        %dma_start3A_45 = tpu.memref_squeeze %dma_start3A_44 : memref<1x80xi32, #tpu.memory_space<vmem>> -> memref<80xi32, #tpu.memory_space<vmem>>
        %dma_start3A_46 = arith.constant 0 : i32
        %dma_start3A_47 = arith.constant 0 : i32
        %dma_start3A_48 = tpu.memref_slice %arg6[%dma_start3A_46, %dma_start3A_47] : memref<100000x8xf32, #tpu.memory_space<vmem_shared>> -> memref<100000x8xf32, #tpu.memory_space<vmem_shared>>
        tpu.enqueue_indirect_dma source(%dma_start3A_42 : memref<80x8xf32, #tpu.memory_space<vmem>>) target(%dma_start3A_48 : memref<100000x8xf32, #tpu.memory_space<vmem_shared>>) offsets(%dma_start3A_45 : memref<80xi32, #tpu.memory_space<vmem>>) semaphore(%run_scoped3A_39 : memref<!tpu.dma_semaphore, #tpu.memory_space<semaphore_mem>>) {add = true}
        %dma_wait3A = arith.constant 0 : i32
        %dma_wait3A_49 = arith.constant 0 : i32
        %dma_wait3A_50 = tpu.memref_slice %arg9[%run_scoped3A_23, %dma_wait3A, %dma_wait3A_49] : memref<10x80x8xf32, #tpu.memory_space<vmem>> -> memref<1x80x8xf32, #tpu.memory_space<vmem>>
        %dma_wait3A_51 = tpu.memref_squeeze %dma_wait3A_50 : memref<1x80x8xf32, #tpu.memory_space<vmem>> -> memref<80x8xf32, #tpu.memory_space<vmem>>
        %dma_wait3A_52 = arith.constant 0 : i32
        %dma_wait3A_53 = tpu.memref_slice %arg7[%run_scoped3A_24, %dma_wait3A_52] : memref<10x80xi32, #tpu.memory_space<vmem>> -> memref<1x80xi32, #tpu.memory_space<vmem>>
        %dma_wait3A_54 = tpu.memref_squeeze %dma_wait3A_53 : memref<1x80xi32, #tpu.memory_space<vmem>> -> memref<80xi32, #tpu.memory_space<vmem>>
        %dma_wait3A_55 = arith.constant 0 : i32
        %dma_wait3A_56 = arith.constant 0 : i32
        %dma_wait3A_57 = tpu.memref_slice %arg6[%dma_wait3A_55, %dma_wait3A_56] : memref<100000x8xf32, #tpu.memory_space<vmem_shared>> -> memref<100000x8xf32, #tpu.memory_space<vmem_shared>>
        tpu.wait_indirect_dma semaphore(%run_scoped3A_39 : memref<!tpu.dma_semaphore, #tpu.memory_space<semaphore_mem>>) src(%dma_wait3A_51 : memref<80x8xf32, #tpu.memory_space<vmem>>) dst(%dma_wait3A_57 : memref<100000x8xf32, #tpu.memory_space<vmem_shared>>)
        tpu.yield
      }) : () -> ()
      %run_scoped3A_25 = arith.constant 3 : i32
      %run_scoped3A_26 = arith.constant 3 : i32
      "tpu.region"() ({
        %run_scoped3A_39 = tpu.sem_alloc : memref<!tpu.dma_semaphore, #tpu.memory_space<semaphore_mem>>
        %dma_start3A = arith.constant 0 : i32
        %dma_start3A_40 = arith.constant 0 : i32
        %dma_start3A_41 = tpu.memref_slice %arg9[%run_scoped3A_25, %dma_start3A, %dma_start3A_40] : memref<10x80x8xf32, #tpu.memory_space<vmem>> -> memref<1x80x8xf32, #tpu.memory_space<vmem>>
        %dma_start3A_42 = tpu.memref_squeeze %dma_start3A_41 : memref<1x80x8xf32, #tpu.memory_space<vmem>> -> memref<80x8xf32, #tpu.memory_space<vmem>>
        %dma_start3A_43 = arith.constant 0 : i32
        %dma_start3A_44 = tpu.memref_slice %arg7[%run_scoped3A_26, %dma_start3A_43] : memref<10x80xi32, #tpu.memory_space<vmem>> -> memref<1x80xi32, #tpu.memory_space<vmem>>
        %dma_start3A_45 = tpu.memref_squeeze %dma_start3A_44 : memref<1x80xi32, #tpu.memory_space<vmem>> -> memref<80xi32, #tpu.memory_space<vmem>>
        %dma_start3A_46 = arith.constant 0 : i32
        %dma_start3A_47 = arith.constant 0 : i32
        %dma_start3A_48 = tpu.memref_slice %arg6[%dma_start3A_46, %dma_start3A_47] : memref<100000x8xf32, #tpu.memory_space<vmem_shared>> -> memref<100000x8xf32, #tpu.memory_space<vmem_shared>>
        tpu.enqueue_indirect_dma source(%dma_start3A_42 : memref<80x8xf32, #tpu.memory_space<vmem>>) target(%dma_start3A_48 : memref<100000x8xf32, #tpu.memory_space<vmem_shared>>) offsets(%dma_start3A_45 : memref<80xi32, #tpu.memory_space<vmem>>) semaphore(%run_scoped3A_39 : memref<!tpu.dma_semaphore, #tpu.memory_space<semaphore_mem>>) {add = true}
        %dma_wait3A = arith.constant 0 : i32
        %dma_wait3A_49 = arith.constant 0 : i32
        %dma_wait3A_50 = tpu.memref_slice %arg9[%run_scoped3A_25, %dma_wait3A, %dma_wait3A_49] : memref<10x80x8xf32, #tpu.memory_space<vmem>> -> memref<1x80x8xf32, #tpu.memory_space<vmem>>
        %dma_wait3A_51 = tpu.memref_squeeze %dma_wait3A_50 : memref<1x80x8xf32, #tpu.memory_space<vmem>> -> memref<80x8xf32, #tpu.memory_space<vmem>>
        %dma_wait3A_52 = arith.constant 0 : i32
        %dma_wait3A_53 = tpu.memref_slice %arg7[%run_scoped3A_26, %dma_wait3A_52] : memref<10x80xi32, #tpu.memory_space<vmem>> -> memref<1x80xi32, #tpu.memory_space<vmem>>
        %dma_wait3A_54 = tpu.memref_squeeze %dma_wait3A_53 : memref<1x80xi32, #tpu.memory_space<vmem>> -> memref<80xi32, #tpu.memory_space<vmem>>
        %dma_wait3A_55 = arith.constant 0 : i32
        %dma_wait3A_56 = arith.constant 0 : i32
        %dma_wait3A_57 = tpu.memref_slice %arg6[%dma_wait3A_55, %dma_wait3A_56] : memref<100000x8xf32, #tpu.memory_space<vmem_shared>> -> memref<100000x8xf32, #tpu.memory_space<vmem_shared>>
        tpu.wait_indirect_dma semaphore(%run_scoped3A_39 : memref<!tpu.dma_semaphore, #tpu.memory_space<semaphore_mem>>) src(%dma_wait3A_51 : memref<80x8xf32, #tpu.memory_space<vmem>>) dst(%dma_wait3A_57 : memref<100000x8xf32, #tpu.memory_space<vmem_shared>>)
        tpu.yield
      }) : () -> ()
      %run_scoped3A_27 = arith.constant 4 : i32
      %run_scoped3A_28 = arith.constant 4 : i32
      "tpu.region"() ({
        %run_scoped3A_39 = tpu.sem_alloc : memref<!tpu.dma_semaphore, #tpu.memory_space<semaphore_mem>>
        %dma_start3A = arith.constant 0 : i32
        %dma_start3A_40 = arith.constant 0 : i32
        %dma_start3A_41 = tpu.memref_slice %arg9[%run_scoped3A_27, %dma_start3A, %dma_start3A_40] : memref<10x80x8xf32, #tpu.memory_space<vmem>> -> memref<1x80x8xf32, #tpu.memory_space<vmem>>
        %dma_start3A_42 = tpu.memref_squeeze %dma_start3A_41 : memref<1x80x8xf32, #tpu.memory_space<vmem>> -> memref<80x8xf32, #tpu.memory_space<vmem>>
        %dma_start3A_43 = arith.constant 0 : i32
        %dma_start3A_44 = tpu.memref_slice %arg7[%run_scoped3A_28, %dma_start3A_43] : memref<10x80xi32, #tpu.memory_space<vmem>> -> memref<1x80xi32, #tpu.memory_space<vmem>>
        %dma_start3A_45 = tpu.memref_squeeze %dma_start3A_44 : memref<1x80xi32, #tpu.memory_space<vmem>> -> memref<80xi32, #tpu.memory_space<vmem>>
        %dma_start3A_46 = arith.constant 0 : i32
        %dma_start3A_47 = arith.constant 0 : i32
        %dma_start3A_48 = tpu.memref_slice %arg6[%dma_start3A_46, %dma_start3A_47] : memref<100000x8xf32, #tpu.memory_space<vmem_shared>> -> memref<100000x8xf32, #tpu.memory_space<vmem_shared>>
        tpu.enqueue_indirect_dma source(%dma_start3A_42 : memref<80x8xf32, #tpu.memory_space<vmem>>) target(%dma_start3A_48 : memref<100000x8xf32, #tpu.memory_space<vmem_shared>>) offsets(%dma_start3A_45 : memref<80xi32, #tpu.memory_space<vmem>>) semaphore(%run_scoped3A_39 : memref<!tpu.dma_semaphore, #tpu.memory_space<semaphore_mem>>) {add = true}
        %dma_wait3A = arith.constant 0 : i32
        %dma_wait3A_49 = arith.constant 0 : i32
        %dma_wait3A_50 = tpu.memref_slice %arg9[%run_scoped3A_27, %dma_wait3A, %dma_wait3A_49] : memref<10x80x8xf32, #tpu.memory_space<vmem>> -> memref<1x80x8xf32, #tpu.memory_space<vmem>>
        %dma_wait3A_51 = tpu.memref_squeeze %dma_wait3A_50 : memref<1x80x8xf32, #tpu.memory_space<vmem>> -> memref<80x8xf32, #tpu.memory_space<vmem>>
        %dma_wait3A_52 = arith.constant 0 : i32
        %dma_wait3A_53 = tpu.memref_slice %arg7[%run_scoped3A_28, %dma_wait3A_52] : memref<10x80xi32, #tpu.memory_space<vmem>> -> memref<1x80xi32, #tpu.memory_space<vmem>>
        %dma_wait3A_54 = tpu.memref_squeeze %dma_wait3A_53 : memref<1x80xi32, #tpu.memory_space<vmem>> -> memref<80xi32, #tpu.memory_space<vmem>>
        %dma_wait3A_55 = arith.constant 0 : i32
        %dma_wait3A_56 = arith.constant 0 : i32
        %dma_wait3A_57 = tpu.memref_slice %arg6[%dma_wait3A_55, %dma_wait3A_56] : memref<100000x8xf32, #tpu.memory_space<vmem_shared>> -> memref<100000x8xf32, #tpu.memory_space<vmem_shared>>
        tpu.wait_indirect_dma semaphore(%run_scoped3A_39 : memref<!tpu.dma_semaphore, #tpu.memory_space<semaphore_mem>>) src(%dma_wait3A_51 : memref<80x8xf32, #tpu.memory_space<vmem>>) dst(%dma_wait3A_57 : memref<100000x8xf32, #tpu.memory_space<vmem_shared>>)
        tpu.yield
      }) : () -> ()
      %run_scoped3A_29 = arith.constant 5 : i32
      %run_scoped3A_30 = arith.constant 5 : i32
      "tpu.region"() ({
        %run_scoped3A_39 = tpu.sem_alloc : memref<!tpu.dma_semaphore, #tpu.memory_space<semaphore_mem>>
        %dma_start3A = arith.constant 0 : i32
        %dma_start3A_40 = arith.constant 0 : i32
        %dma_start3A_41 = tpu.memref_slice %arg9[%run_scoped3A_29, %dma_start3A, %dma_start3A_40] : memref<10x80x8xf32, #tpu.memory_space<vmem>> -> memref<1x80x8xf32, #tpu.memory_space<vmem>>
        %dma_start3A_42 = tpu.memref_squeeze %dma_start3A_41 : memref<1x80x8xf32, #tpu.memory_space<vmem>> -> memref<80x8xf32, #tpu.memory_space<vmem>>
        %dma_start3A_43 = arith.constant 0 : i32
        %dma_start3A_44 = tpu.memref_slice %arg7[%run_scoped3A_30, %dma_start3A_43] : memref<10x80xi32, #tpu.memory_space<vmem>> -> memref<1x80xi32, #tpu.memory_space<vmem>>
        %dma_start3A_45 = tpu.memref_squeeze %dma_start3A_44 : memref<1x80xi32, #tpu.memory_space<vmem>> -> memref<80xi32, #tpu.memory_space<vmem>>
        %dma_start3A_46 = arith.constant 0 : i32
        %dma_start3A_47 = arith.constant 0 : i32
        %dma_start3A_48 = tpu.memref_slice %arg6[%dma_start3A_46, %dma_start3A_47] : memref<100000x8xf32, #tpu.memory_space<vmem_shared>> -> memref<100000x8xf32, #tpu.memory_space<vmem_shared>>
        tpu.enqueue_indirect_dma source(%dma_start3A_42 : memref<80x8xf32, #tpu.memory_space<vmem>>) target(%dma_start3A_48 : memref<100000x8xf32, #tpu.memory_space<vmem_shared>>) offsets(%dma_start3A_45 : memref<80xi32, #tpu.memory_space<vmem>>) semaphore(%run_scoped3A_39 : memref<!tpu.dma_semaphore, #tpu.memory_space<semaphore_mem>>) {add = true}
        %dma_wait3A = arith.constant 0 : i32
        %dma_wait3A_49 = arith.constant 0 : i32
        %dma_wait3A_50 = tpu.memref_slice %arg9[%run_scoped3A_29, %dma_wait3A, %dma_wait3A_49] : memref<10x80x8xf32, #tpu.memory_space<vmem>> -> memref<1x80x8xf32, #tpu.memory_space<vmem>>
        %dma_wait3A_51 = tpu.memref_squeeze %dma_wait3A_50 : memref<1x80x8xf32, #tpu.memory_space<vmem>> -> memref<80x8xf32, #tpu.memory_space<vmem>>
        %dma_wait3A_52 = arith.constant 0 : i32
        %dma_wait3A_53 = tpu.memref_slice %arg7[%run_scoped3A_30, %dma_wait3A_52] : memref<10x80xi32, #tpu.memory_space<vmem>> -> memref<1x80xi32, #tpu.memory_space<vmem>>
        %dma_wait3A_54 = tpu.memref_squeeze %dma_wait3A_53 : memref<1x80xi32, #tpu.memory_space<vmem>> -> memref<80xi32, #tpu.memory_space<vmem>>
        %dma_wait3A_55 = arith.constant 0 : i32
        %dma_wait3A_56 = arith.constant 0 : i32
        %dma_wait3A_57 = tpu.memref_slice %arg6[%dma_wait3A_55, %dma_wait3A_56] : memref<100000x8xf32, #tpu.memory_space<vmem_shared>> -> memref<100000x8xf32, #tpu.memory_space<vmem_shared>>
        tpu.wait_indirect_dma semaphore(%run_scoped3A_39 : memref<!tpu.dma_semaphore, #tpu.memory_space<semaphore_mem>>) src(%dma_wait3A_51 : memref<80x8xf32, #tpu.memory_space<vmem>>) dst(%dma_wait3A_57 : memref<100000x8xf32, #tpu.memory_space<vmem_shared>>)
        tpu.yield
      }) : () -> ()
      %run_scoped3A_31 = arith.constant 6 : i32
      %run_scoped3A_32 = arith.constant 6 : i32
      "tpu.region"() ({
        %run_scoped3A_39 = tpu.sem_alloc : memref<!tpu.dma_semaphore, #tpu.memory_space<semaphore_mem>>
        %dma_start3A = arith.constant 0 : i32
        %dma_start3A_40 = arith.constant 0 : i32
        %dma_start3A_41 = tpu.memref_slice %arg9[%run_scoped3A_31, %dma_start3A, %dma_start3A_40] : memref<10x80x8xf32, #tpu.memory_space<vmem>> -> memref<1x80x8xf32, #tpu.memory_space<vmem>>
        %dma_start3A_42 = tpu.memref_squeeze %dma_start3A_41 : memref<1x80x8xf32, #tpu.memory_space<vmem>> -> memref<80x8xf32, #tpu.memory_space<vmem>>
        %dma_start3A_43 = arith.constant 0 : i32
        %dma_start3A_44 = tpu.memref_slice %arg7[%run_scoped3A_32, %dma_start3A_43] : memref<10x80xi32, #tpu.memory_space<vmem>> -> memref<1x80xi32, #tpu.memory_space<vmem>>
        %dma_start3A_45 = tpu.memref_squeeze %dma_start3A_44 : memref<1x80xi32, #tpu.memory_space<vmem>> -> memref<80xi32, #tpu.memory_space<vmem>>
        %dma_start3A_46 = arith.constant 0 : i32
        %dma_start3A_47 = arith.constant 0 : i32
        %dma_start3A_48 = tpu.memref_slice %arg6[%dma_start3A_46, %dma_start3A_47] : memref<100000x8xf32, #tpu.memory_space<vmem_shared>> -> memref<100000x8xf32, #tpu.memory_space<vmem_shared>>
        tpu.enqueue_indirect_dma source(%dma_start3A_42 : memref<80x8xf32, #tpu.memory_space<vmem>>) target(%dma_start3A_48 : memref<100000x8xf32, #tpu.memory_space<vmem_shared>>) offsets(%dma_start3A_45 : memref<80xi32, #tpu.memory_space<vmem>>) semaphore(%run_scoped3A_39 : memref<!tpu.dma_semaphore, #tpu.memory_space<semaphore_mem>>) {add = true}
        %dma_wait3A = arith.constant 0 : i32
        %dma_wait3A_49 = arith.constant 0 : i32
        %dma_wait3A_50 = tpu.memref_slice %arg9[%run_scoped3A_31, %dma_wait3A, %dma_wait3A_49] : memref<10x80x8xf32, #tpu.memory_space<vmem>> -> memref<1x80x8xf32, #tpu.memory_space<vmem>>
        %dma_wait3A_51 = tpu.memref_squeeze %dma_wait3A_50 : memref<1x80x8xf32, #tpu.memory_space<vmem>> -> memref<80x8xf32, #tpu.memory_space<vmem>>
        %dma_wait3A_52 = arith.constant 0 : i32
        %dma_wait3A_53 = tpu.memref_slice %arg7[%run_scoped3A_32, %dma_wait3A_52] : memref<10x80xi32, #tpu.memory_space<vmem>> -> memref<1x80xi32, #tpu.memory_space<vmem>>
        %dma_wait3A_54 = tpu.memref_squeeze %dma_wait3A_53 : memref<1x80xi32, #tpu.memory_space<vmem>> -> memref<80xi32, #tpu.memory_space<vmem>>
        %dma_wait3A_55 = arith.constant 0 : i32
        %dma_wait3A_56 = arith.constant 0 : i32
        %dma_wait3A_57 = tpu.memref_slice %arg6[%dma_wait3A_55, %dma_wait3A_56] : memref<100000x8xf32, #tpu.memory_space<vmem_shared>> -> memref<100000x8xf32, #tpu.memory_space<vmem_shared>>
        tpu.wait_indirect_dma semaphore(%run_scoped3A_39 : memref<!tpu.dma_semaphore, #tpu.memory_space<semaphore_mem>>) src(%dma_wait3A_51 : memref<80x8xf32, #tpu.memory_space<vmem>>) dst(%dma_wait3A_57 : memref<100000x8xf32, #tpu.memory_space<vmem_shared>>)
        tpu.yield
      }) : () -> ()
      %run_scoped3A_33 = arith.constant 7 : i32
      %run_scoped3A_34 = arith.constant 7 : i32
      "tpu.region"() ({
        %run_scoped3A_39 = tpu.sem_alloc : memref<!tpu.dma_semaphore, #tpu.memory_space<semaphore_mem>>
        %dma_start3A = arith.constant 0 : i32
        %dma_start3A_40 = arith.constant 0 : i32
        %dma_start3A_41 = tpu.memref_slice %arg9[%run_scoped3A_33, %dma_start3A, %dma_start3A_40] : memref<10x80x8xf32, #tpu.memory_space<vmem>> -> memref<1x80x8xf32, #tpu.memory_space<vmem>>
        %dma_start3A_42 = tpu.memref_squeeze %dma_start3A_41 : memref<1x80x8xf32, #tpu.memory_space<vmem>> -> memref<80x8xf32, #tpu.memory_space<vmem>>
        %dma_start3A_43 = arith.constant 0 : i32
        %dma_start3A_44 = tpu.memref_slice %arg7[%run_scoped3A_34, %dma_start3A_43] : memref<10x80xi32, #tpu.memory_space<vmem>> -> memref<1x80xi32, #tpu.memory_space<vmem>>
        %dma_start3A_45 = tpu.memref_squeeze %dma_start3A_44 : memref<1x80xi32, #tpu.memory_space<vmem>> -> memref<80xi32, #tpu.memory_space<vmem>>
        %dma_start3A_46 = arith.constant 0 : i32
        %dma_start3A_47 = arith.constant 0 : i32
        %dma_start3A_48 = tpu.memref_slice %arg6[%dma_start3A_46, %dma_start3A_47] : memref<100000x8xf32, #tpu.memory_space<vmem_shared>> -> memref<100000x8xf32, #tpu.memory_space<vmem_shared>>
        tpu.enqueue_indirect_dma source(%dma_start3A_42 : memref<80x8xf32, #tpu.memory_space<vmem>>) target(%dma_start3A_48 : memref<100000x8xf32, #tpu.memory_space<vmem_shared>>) offsets(%dma_start3A_45 : memref<80xi32, #tpu.memory_space<vmem>>) semaphore(%run_scoped3A_39 : memref<!tpu.dma_semaphore, #tpu.memory_space<semaphore_mem>>) {add = true}
        %dma_wait3A = arith.constant 0 : i32
        %dma_wait3A_49 = arith.constant 0 : i32
        %dma_wait3A_50 = tpu.memref_slice %arg9[%run_scoped3A_33, %dma_wait3A, %dma_wait3A_49] : memref<10x80x8xf32, #tpu.memory_space<vmem>> -> memref<1x80x8xf32, #tpu.memory_space<vmem>>
        %dma_wait3A_51 = tpu.memref_squeeze %dma_wait3A_50 : memref<1x80x8xf32, #tpu.memory_space<vmem>> -> memref<80x8xf32, #tpu.memory_space<vmem>>
        %dma_wait3A_52 = arith.constant 0 : i32
        %dma_wait3A_53 = tpu.memref_slice %arg7[%run_scoped3A_34, %dma_wait3A_52] : memref<10x80xi32, #tpu.memory_space<vmem>> -> memref<1x80xi32, #tpu.memory_space<vmem>>
        %dma_wait3A_54 = tpu.memref_squeeze %dma_wait3A_53 : memref<1x80xi32, #tpu.memory_space<vmem>> -> memref<80xi32, #tpu.memory_space<vmem>>
        %dma_wait3A_55 = arith.constant 0 : i32
        %dma_wait3A_56 = arith.constant 0 : i32
        %dma_wait3A_57 = tpu.memref_slice %arg6[%dma_wait3A_55, %dma_wait3A_56] : memref<100000x8xf32, #tpu.memory_space<vmem_shared>> -> memref<100000x8xf32, #tpu.memory_space<vmem_shared>>
        tpu.wait_indirect_dma semaphore(%run_scoped3A_39 : memref<!tpu.dma_semaphore, #tpu.memory_space<semaphore_mem>>) src(%dma_wait3A_51 : memref<80x8xf32, #tpu.memory_space<vmem>>) dst(%dma_wait3A_57 : memref<100000x8xf32, #tpu.memory_space<vmem_shared>>)
        tpu.yield
      }) : () -> ()
      %run_scoped3A_35 = arith.constant 8 : i32
      %run_scoped3A_36 = arith.constant 8 : i32
      "tpu.region"() ({
        %run_scoped3A_39 = tpu.sem_alloc : memref<!tpu.dma_semaphore, #tpu.memory_space<semaphore_mem>>
        %dma_start3A = arith.constant 0 : i32
        %dma_start3A_40 = arith.constant 0 : i32
        %dma_start3A_41 = tpu.memref_slice %arg9[%run_scoped3A_35, %dma_start3A, %dma_start3A_40] : memref<10x80x8xf32, #tpu.memory_space<vmem>> -> memref<1x80x8xf32, #tpu.memory_space<vmem>>
        %dma_start3A_42 = tpu.memref_squeeze %dma_start3A_41 : memref<1x80x8xf32, #tpu.memory_space<vmem>> -> memref<80x8xf32, #tpu.memory_space<vmem>>
        %dma_start3A_43 = arith.constant 0 : i32
        %dma_start3A_44 = tpu.memref_slice %arg7[%run_scoped3A_36, %dma_start3A_43] : memref<10x80xi32, #tpu.memory_space<vmem>> -> memref<1x80xi32, #tpu.memory_space<vmem>>
        %dma_start3A_45 = tpu.memref_squeeze %dma_start3A_44 : memref<1x80xi32, #tpu.memory_space<vmem>> -> memref<80xi32, #tpu.memory_space<vmem>>
        %dma_start3A_46 = arith.constant 0 : i32
        %dma_start3A_47 = arith.constant 0 : i32
        %dma_start3A_48 = tpu.memref_slice %arg6[%dma_start3A_46, %dma_start3A_47] : memref<100000x8xf32, #tpu.memory_space<vmem_shared>> -> memref<100000x8xf32, #tpu.memory_space<vmem_shared>>
        tpu.enqueue_indirect_dma source(%dma_start3A_42 : memref<80x8xf32, #tpu.memory_space<vmem>>) target(%dma_start3A_48 : memref<100000x8xf32, #tpu.memory_space<vmem_shared>>) offsets(%dma_start3A_45 : memref<80xi32, #tpu.memory_space<vmem>>) semaphore(%run_scoped3A_39 : memref<!tpu.dma_semaphore, #tpu.memory_space<semaphore_mem>>) {add = true}
        %dma_wait3A = arith.constant 0 : i32
        %dma_wait3A_49 = arith.constant 0 : i32
        %dma_wait3A_50 = tpu.memref_slice %arg9[%run_scoped3A_35, %dma_wait3A, %dma_wait3A_49] : memref<10x80x8xf32, #tpu.memory_space<vmem>> -> memref<1x80x8xf32, #tpu.memory_space<vmem>>
        %dma_wait3A_51 = tpu.memref_squeeze %dma_wait3A_50 : memref<1x80x8xf32, #tpu.memory_space<vmem>> -> memref<80x8xf32, #tpu.memory_space<vmem>>
        %dma_wait3A_52 = arith.constant 0 : i32
        %dma_wait3A_53 = tpu.memref_slice %arg7[%run_scoped3A_36, %dma_wait3A_52] : memref<10x80xi32, #tpu.memory_space<vmem>> -> memref<1x80xi32, #tpu.memory_space<vmem>>
        %dma_wait3A_54 = tpu.memref_squeeze %dma_wait3A_53 : memref<1x80xi32, #tpu.memory_space<vmem>> -> memref<80xi32, #tpu.memory_space<vmem>>
        %dma_wait3A_55 = arith.constant 0 : i32
        %dma_wait3A_56 = arith.constant 0 : i32
        %dma_wait3A_57 = tpu.memref_slice %arg6[%dma_wait3A_55, %dma_wait3A_56] : memref<100000x8xf32, #tpu.memory_space<vmem_shared>> -> memref<100000x8xf32, #tpu.memory_space<vmem_shared>>
        tpu.wait_indirect_dma semaphore(%run_scoped3A_39 : memref<!tpu.dma_semaphore, #tpu.memory_space<semaphore_mem>>) src(%dma_wait3A_51 : memref<80x8xf32, #tpu.memory_space<vmem>>) dst(%dma_wait3A_57 : memref<100000x8xf32, #tpu.memory_space<vmem_shared>>)
        tpu.yield
      }) : () -> ()
      %run_scoped3A_37 = arith.constant 9 : i32
      %run_scoped3A_38 = arith.constant 9 : i32
      "tpu.region"() ({
        %run_scoped3A_39 = tpu.sem_alloc : memref<!tpu.dma_semaphore, #tpu.memory_space<semaphore_mem>>
        %dma_start3A = arith.constant 0 : i32
        %dma_start3A_40 = arith.constant 0 : i32
        %dma_start3A_41 = tpu.memref_slice %arg9[%run_scoped3A_37, %dma_start3A, %dma_start3A_40] : memref<10x80x8xf32, #tpu.memory_space<vmem>> -> memref<1x80x8xf32, #tpu.memory_space<vmem>>
        %dma_start3A_42 = tpu.memref_squeeze %dma_start3A_41 : memref<1x80x8xf32, #tpu.memory_space<vmem>> -> memref<80x8xf32, #tpu.memory_space<vmem>>
        %dma_start3A_43 = arith.constant 0 : i32
        %dma_start3A_44 = tpu.memref_slice %arg7[%run_scoped3A_38, %dma_start3A_43] : memref<10x80xi32, #tpu.memory_space<vmem>> -> memref<1x80xi32, #tpu.memory_space<vmem>>
        %dma_start3A_45 = tpu.memref_squeeze %dma_start3A_44 : memref<1x80xi32, #tpu.memory_space<vmem>> -> memref<80xi32, #tpu.memory_space<vmem>>
        %dma_start3A_46 = arith.constant 0 : i32
        %dma_start3A_47 = arith.constant 0 : i32
        %dma_start3A_48 = tpu.memref_slice %arg6[%dma_start3A_46, %dma_start3A_47] : memref<100000x8xf32, #tpu.memory_space<vmem_shared>> -> memref<100000x8xf32, #tpu.memory_space<vmem_shared>>
        tpu.enqueue_indirect_dma source(%dma_start3A_42 : memref<80x8xf32, #tpu.memory_space<vmem>>) target(%dma_start3A_48 : memref<100000x8xf32, #tpu.memory_space<vmem_shared>>) offsets(%dma_start3A_45 : memref<80xi32, #tpu.memory_space<vmem>>) semaphore(%run_scoped3A_39 : memref<!tpu.dma_semaphore, #tpu.memory_space<semaphore_mem>>) {add = true}
        %dma_wait3A = arith.constant 0 : i32
        %dma_wait3A_49 = arith.constant 0 : i32
        %dma_wait3A_50 = tpu.memref_slice %arg9[%run_scoped3A_37, %dma_wait3A, %dma_wait3A_49] : memref<10x80x8xf32, #tpu.memory_space<vmem>> -> memref<1x80x8xf32, #tpu.memory_space<vmem>>
        %dma_wait3A_51 = tpu.memref_squeeze %dma_wait3A_50 : memref<1x80x8xf32, #tpu.memory_space<vmem>> -> memref<80x8xf32, #tpu.memory_space<vmem>>
        %dma_wait3A_52 = arith.constant 0 : i32
        %dma_wait3A_53 = tpu.memref_slice %arg7[%run_scoped3A_38, %dma_wait3A_52] : memref<10x80xi32, #tpu.memory_space<vmem>> -> memref<1x80xi32, #tpu.memory_space<vmem>>
        %dma_wait3A_54 = tpu.memref_squeeze %dma_wait3A_53 : memref<1x80xi32, #tpu.memory_space<vmem>> -> memref<80xi32, #tpu.memory_space<vmem>>
        %dma_wait3A_55 = arith.constant 0 : i32
        %dma_wait3A_56 = arith.constant 0 : i32
        %dma_wait3A_57 = tpu.memref_slice %arg6[%dma_wait3A_55, %dma_wait3A_56] : memref<100000x8xf32, #tpu.memory_space<vmem_shared>> -> memref<100000x8xf32, #tpu.memory_space<vmem_shared>>
        tpu.wait_indirect_dma semaphore(%run_scoped3A_39 : memref<!tpu.dma_semaphore, #tpu.memory_space<semaphore_mem>>) src(%dma_wait3A_51 : memref<80x8xf32, #tpu.memory_space<vmem>>) dst(%dma_wait3A_57 : memref<100000x8xf32, #tpu.memory_space<vmem_shared>>)
        tpu.yield
      }) : () -> ()
    }
    %scan3A_7 = arith.constant 125 : i32
    %barrier3A_8 = arith.constant 0 : index
    tpu.barrier barrier_id(%barrier3A_8)
    %eq3A_9 = arith.constant 0 : i32
    %eq3A_10 = arith.cmpi eq, %arg1, %eq3A_9 : i32
    %convert_element_type3A_11 = arith.extui %eq3A_10 : i1 to i32
    %cond3A_12 = arith.constant 0 : i32
    %cond3A_13 = arith.cmpi ne, %convert_element_type3A_11, %cond3A_12 : i32
    scf.if %cond3A_13 {
      "tpu.region"() ({
        %run_scoped3A = tpu.sem_alloc : memref<!tpu.dma_semaphore, #tpu.memory_space<semaphore_mem>>
        %dma_start3A = arith.constant 0 : i32
        %dma_start3A_14 = arith.constant 0 : i32
        %dma_start3A_15 = tpu.memref_slice %arg5[%arg0, %dma_start3A, %dma_start3A_14] : memref<2x100000x8xf32, #tpu.memory_space<hbm>> -> memref<1x100000x8xf32, #tpu.memory_space<hbm>>
        %dma_start3A_16 = tpu.memref_squeeze %dma_start3A_15 : memref<1x100000x8xf32, #tpu.memory_space<hbm>> -> memref<100000x8xf32, #tpu.memory_space<hbm>>
        tpu.enqueue_dma source(%arg6 : memref<100000x8xf32, #tpu.memory_space<vmem_shared>>) target(%dma_start3A_16 : memref<100000x8xf32, #tpu.memory_space<hbm>>) target_semaphore(%run_scoped3A : memref<!tpu.dma_semaphore, #tpu.memory_space<semaphore_mem>>)
        %dma_wait3A = arith.constant 0 : i32
        %dma_wait3A_17 = arith.constant 0 : i32
        %dma_wait3A_18 = tpu.memref_slice %arg5[%arg0, %dma_wait3A, %dma_wait3A_17] : memref<2x100000x8xf32, #tpu.memory_space<hbm>> -> memref<1x100000x8xf32, #tpu.memory_space<hbm>>
        %dma_wait3A_19 = tpu.memref_squeeze %dma_wait3A_18 : memref<1x100000x8xf32, #tpu.memory_space<hbm>> -> memref<100000x8xf32, #tpu.memory_space<hbm>>
        tpu.wait_dma2 semaphore(%run_scoped3A : memref<!tpu.dma_semaphore, #tpu.memory_space<semaphore_mem>>) src(%arg6 : memref<100000x8xf32, #tpu.memory_space<vmem_shared>>) dst(%dma_wait3A_19 : memref<100000x8xf32, #tpu.memory_space<hbm>>)
        tpu.yield
      }) : () -> ()
    } else {
    }
    return
  }
}

#map = affine_map<(d0, d1) -> (0, 0)>
#map1 = affine_map<(d0, d1) -> (0)>
module attributes {stable_mosaic.version = 14 : i64} {
  func.func @_k2_body(%arg0: i32, %arg1: i32, %arg2: memref<100000x8xf32, #tpu.memory_space<hbm>>, %arg3: memref<3200000xi32, #tpu.memory_space<hbm>>, %arg4: memref<3200000xi32, #tpu.memory_space<hbm>>, %arg5: memref<3200000x8xf32, #tpu.memory_space<hbm>>, %arg6: memref<3200000x8xf32, #tpu.memory_space<hbm>>, %arg7: memref<100000x8xf32, #tpu.memory_space<vmem_shared>>, %arg8: memref<2000xi32, #tpu.memory_space<vmem>>, %arg9: memref<2000xi32, #tpu.memory_space<vmem>>, %arg10: memref<2000xi32, #tpu.memory_space<vmem>>, %arg11: memref<2000xi32, #tpu.memory_space<vmem>>, %arg12: memref<2000x8xf32, #tpu.memory_space<vmem>>, %arg13: memref<2000x8xf32, #tpu.memory_space<vmem>>, %arg14: memref<2000x8xf32, #tpu.memory_space<vmem>>, %arg15: memref<2000x8xf32, #tpu.memory_space<vmem>>, %arg16: memref<!tpu.dma_semaphore, #tpu.memory_space<semaphore_mem>>, %arg17: memref<!tpu.dma_semaphore, #tpu.memory_space<semaphore_mem>>, %arg18: memref<!tpu.dma_semaphore, #tpu.memory_space<semaphore_mem>>, %arg19: memref<!tpu.dma_semaphore, #tpu.memory_space<semaphore_mem>>, %arg20: memref<!tpu.dma_semaphore, #tpu.memory_space<semaphore_mem>>) attributes {dimension_semantics = [#tpu.dimension_semantics<core_parallel>, #tpu.dimension_semantics<subcore_parallel>], iteration_bounds = array<i64: 2, 16>, scalar_prefetch = 0 : i64, scratch_operands = 14 : i64, tpu.core_type = #tpu.core_type<sc_vector_subcore>, window_params = [{transform_indices = #map}, {transform_indices = #map1}, {transform_indices = #map1}, {transform_indices = #map}, {transform_indices = #map}]} {
    %mul3A = arith.constant 2 : i32
    %mul3A_0 = arith.muli %arg1, %mul3A : i32
    %add3A = arith.addi %mul3A_0, %arg0 : i32
    %eq3A = arith.constant 0 : i32
    %eq3A_1 = arith.cmpi eq, %arg1, %eq3A : i32
    %convert_element_type3A = arith.extui %eq3A_1 : i1 to i32
    %cond3A = arith.constant 0 : i32
    %cond3A_2 = arith.cmpi ne, %convert_element_type3A, %cond3A : i32
    scf.if %cond3A_2 {
      "tpu.region"() ({
        %run_scoped3A = tpu.sem_alloc : memref<!tpu.dma_semaphore, #tpu.memory_space<semaphore_mem>>
        tpu.enqueue_dma source(%arg2 : memref<100000x8xf32, #tpu.memory_space<hbm>>) target(%arg7 : memref<100000x8xf32, #tpu.memory_space<vmem_shared>>) target_semaphore(%run_scoped3A : memref<!tpu.dma_semaphore, #tpu.memory_space<semaphore_mem>>)
        tpu.wait_dma2 semaphore(%run_scoped3A : memref<!tpu.dma_semaphore, #tpu.memory_space<semaphore_mem>>) src(%arg2 : memref<100000x8xf32, #tpu.memory_space<hbm>>) dst(%arg7 : memref<100000x8xf32, #tpu.memory_space<vmem_shared>>)
        tpu.yield
      }) : () -> ()
    } else {
    }
    %barrier3A = arith.constant 0 : index
    tpu.barrier barrier_id(%barrier3A)
    %scan3A = arith.constant 0 : i32
    %scan3A_3 = arith.constant 0 : i32
    %scan3A_4 = arith.constant 25 : i32
    %scan3A_5 = arith.addi %scan3A_3, %scan3A_4 : i32
    %scan3A_6 = arith.constant 1 : i32
    scf.for %scan3A_25 = %scan3A_3 to %scan3A_5 step %scan3A_6  : i32 {
      %mul3A_26 = arith.constant 2 : i32
      %mul3A_27 = arith.muli %scan3A_25, %mul3A_26 : i32
      %add3A_28 = arith.constant 0 : i32
      %add3A_29 = arith.addi %mul3A_27, %add3A_28 : i32
      %mul3A_30 = arith.constant 100000 : i32
      %mul3A_31 = arith.muli %add3A, %mul3A_30 : i32
      %mul3A_32 = arith.constant 2000 : i32
      %mul3A_33 = arith.muli %add3A_29, %mul3A_32 : i32
      %add3A_34 = arith.addi %mul3A_31, %mul3A_33 : i32
      %multiple_of3A_35 = tpu.assume_multiple %add3A_34, 8 : i32
      %gt3A = arith.constant 0 : i32
      %gt3A_36 = arith.cmpi sgt, %scan3A_25, %gt3A : i32
      %convert_element_type3A_37 = arith.extui %gt3A_36 : i1 to i32
      %cond3A_38 = arith.constant 0 : i32
      %cond3A_39 = arith.cmpi ne, %convert_element_type3A_37, %cond3A_38 : i32
      scf.if %cond3A_39 {
        %dma_wait3A_94 = arith.constant 0 : i32
        %dma_wait3A_95 = tpu.memref_slice %arg5[%multiple_of3A_35, %dma_wait3A_94] : memref<3200000x8xf32, #tpu.memory_space<hbm>> -> memref<2000x8xf32, #tpu.memory_space<hbm>>
        %dma_wait3A_96 = arith.constant 0 : i32
        %dma_wait3A_97 = tpu.memref_slice %arg5[%multiple_of3A_35, %dma_wait3A_96] : memref<3200000x8xf32, #tpu.memory_space<hbm>> -> memref<2000x8xf32, #tpu.memory_space<hbm>>
        tpu.wait_dma2 semaphore(%arg17 : memref<!tpu.dma_semaphore, #tpu.memory_space<semaphore_mem>>) src(%arg12 : memref<2000x8xf32, #tpu.memory_space<vmem>>) dst(%dma_wait3A_97 : memref<2000x8xf32, #tpu.memory_space<hbm>>)
        %dma_wait3A_98 = arith.constant 0 : i32
        %dma_wait3A_99 = tpu.memref_slice %arg6[%multiple_of3A_35, %dma_wait3A_98] : memref<3200000x8xf32, #tpu.memory_space<hbm>> -> memref<2000x8xf32, #tpu.memory_space<hbm>>
        %dma_wait3A_100 = arith.constant 0 : i32
        %dma_wait3A_101 = tpu.memref_slice %arg6[%multiple_of3A_35, %dma_wait3A_100] : memref<3200000x8xf32, #tpu.memory_space<hbm>> -> memref<2000x8xf32, #tpu.memory_space<hbm>>
        tpu.wait_dma2 semaphore(%arg19 : memref<!tpu.dma_semaphore, #tpu.memory_space<semaphore_mem>>) src(%arg14 : memref<2000x8xf32, #tpu.memory_space<vmem>>) dst(%dma_wait3A_101 : memref<2000x8xf32, #tpu.memory_space<hbm>>)
      } else {
      }
      "tpu.region"() ({
        %run_scoped3A = tpu.sem_alloc : memref<!tpu.dma_semaphore, #tpu.memory_space<semaphore_mem>>
        %dma_start3A_94 = tpu.memref_slice %arg3[%multiple_of3A_35] : memref<3200000xi32, #tpu.memory_space<hbm>> -> memref<2000xi32, #tpu.memory_space<hbm>>
        %dma_start3A_95 = tpu.memref_slice %arg3[%multiple_of3A_35] : memref<3200000xi32, #tpu.memory_space<hbm>> -> memref<2000xi32, #tpu.memory_space<hbm>>
        tpu.enqueue_dma source(%dma_start3A_95 : memref<2000xi32, #tpu.memory_space<hbm>>) target(%arg8 : memref<2000xi32, #tpu.memory_space<vmem>>) target_semaphore(%run_scoped3A : memref<!tpu.dma_semaphore, #tpu.memory_space<semaphore_mem>>)
        %dma_wait3A_96 = tpu.memref_slice %arg3[%multiple_of3A_35] : memref<3200000xi32, #tpu.memory_space<hbm>> -> memref<2000xi32, #tpu.memory_space<hbm>>
        %dma_wait3A_97 = tpu.memref_slice %arg3[%multiple_of3A_35] : memref<3200000xi32, #tpu.memory_space<hbm>> -> memref<2000xi32, #tpu.memory_space<hbm>>
        tpu.wait_dma2 semaphore(%run_scoped3A : memref<!tpu.dma_semaphore, #tpu.memory_space<semaphore_mem>>) src(%dma_wait3A_97 : memref<2000xi32, #tpu.memory_space<hbm>>) dst(%arg8 : memref<2000xi32, #tpu.memory_space<vmem>>)
        tpu.yield
      }) : () -> ()
      %dma_start3A = arith.constant 0 : i32
      %dma_start3A_40 = arith.constant 0 : i32
      %dma_start3A_41 = tpu.memref_slice %arg7[%dma_start3A, %dma_start3A_40] : memref<100000x8xf32, #tpu.memory_space<vmem_shared>> -> memref<100000x8xf32, #tpu.memory_space<vmem_shared>>
      tpu.enqueue_indirect_dma source(%dma_start3A_41 : memref<100000x8xf32, #tpu.memory_space<vmem_shared>>) target(%arg12 : memref<2000x8xf32, #tpu.memory_space<vmem>>) offsets(%arg8 : memref<2000xi32, #tpu.memory_space<vmem>>) semaphore(%arg16 : memref<!tpu.dma_semaphore, #tpu.memory_space<semaphore_mem>>)
      %dma_wait3A_42 = arith.constant 0 : i32
      %dma_wait3A_43 = arith.constant 0 : i32
      %dma_wait3A_44 = tpu.memref_slice %arg7[%dma_wait3A_42, %dma_wait3A_43] : memref<100000x8xf32, #tpu.memory_space<vmem_shared>> -> memref<100000x8xf32, #tpu.memory_space<vmem_shared>>
      tpu.wait_indirect_dma semaphore(%arg16 : memref<!tpu.dma_semaphore, #tpu.memory_space<semaphore_mem>>) src(%dma_wait3A_44 : memref<100000x8xf32, #tpu.memory_space<vmem_shared>>) dst(%arg12 : memref<2000x8xf32, #tpu.memory_space<vmem>>)
      %dma_start3A_45 = arith.constant 0 : i32
      %dma_start3A_46 = tpu.memref_slice %arg5[%multiple_of3A_35, %dma_start3A_45] : memref<3200000x8xf32, #tpu.memory_space<hbm>> -> memref<2000x8xf32, #tpu.memory_space<hbm>>
      %dma_start3A_47 = arith.constant 0 : i32
      %dma_start3A_48 = tpu.memref_slice %arg5[%multiple_of3A_35, %dma_start3A_47] : memref<3200000x8xf32, #tpu.memory_space<hbm>> -> memref<2000x8xf32, #tpu.memory_space<hbm>>
      tpu.enqueue_dma source(%arg12 : memref<2000x8xf32, #tpu.memory_space<vmem>>) target(%dma_start3A_48 : memref<2000x8xf32, #tpu.memory_space<hbm>>) target_semaphore(%arg17 : memref<!tpu.dma_semaphore, #tpu.memory_space<semaphore_mem>>)
      "tpu.region"() ({
        %run_scoped3A = tpu.sem_alloc : memref<!tpu.dma_semaphore, #tpu.memory_space<semaphore_mem>>
        %dma_start3A_94 = tpu.memref_slice %arg4[%multiple_of3A_35] : memref<3200000xi32, #tpu.memory_space<hbm>> -> memref<2000xi32, #tpu.memory_space<hbm>>
        %dma_start3A_95 = tpu.memref_slice %arg4[%multiple_of3A_35] : memref<3200000xi32, #tpu.memory_space<hbm>> -> memref<2000xi32, #tpu.memory_space<hbm>>
        tpu.enqueue_dma source(%dma_start3A_95 : memref<2000xi32, #tpu.memory_space<hbm>>) target(%arg10 : memref<2000xi32, #tpu.memory_space<vmem>>) target_semaphore(%run_scoped3A : memref<!tpu.dma_semaphore, #tpu.memory_space<semaphore_mem>>)
        %dma_wait3A_96 = tpu.memref_slice %arg4[%multiple_of3A_35] : memref<3200000xi32, #tpu.memory_space<hbm>> -> memref<2000xi32, #tpu.memory_space<hbm>>
        %dma_wait3A_97 = tpu.memref_slice %arg4[%multiple_of3A_35] : memref<3200000xi32, #tpu.memory_space<hbm>> -> memref<2000xi32, #tpu.memory_space<hbm>>
        tpu.wait_dma2 semaphore(%run_scoped3A : memref<!tpu.dma_semaphore, #tpu.memory_space<semaphore_mem>>) src(%dma_wait3A_97 : memref<2000xi32, #tpu.memory_space<hbm>>) dst(%arg10 : memref<2000xi32, #tpu.memory_space<vmem>>)
        tpu.yield
      }) : () -> ()
      %dma_start3A_49 = arith.constant 0 : i32
      %dma_start3A_50 = arith.constant 0 : i32
      %dma_start3A_51 = tpu.memref_slice %arg7[%dma_start3A_49, %dma_start3A_50] : memref<100000x8xf32, #tpu.memory_space<vmem_shared>> -> memref<100000x8xf32, #tpu.memory_space<vmem_shared>>
      tpu.enqueue_indirect_dma source(%dma_start3A_51 : memref<100000x8xf32, #tpu.memory_space<vmem_shared>>) target(%arg14 : memref<2000x8xf32, #tpu.memory_space<vmem>>) offsets(%arg10 : memref<2000xi32, #tpu.memory_space<vmem>>) semaphore(%arg16 : memref<!tpu.dma_semaphore, #tpu.memory_space<semaphore_mem>>)
      %dma_wait3A_52 = arith.constant 0 : i32
      %dma_wait3A_53 = arith.constant 0 : i32
      %dma_wait3A_54 = tpu.memref_slice %arg7[%dma_wait3A_52, %dma_wait3A_53] : memref<100000x8xf32, #tpu.memory_space<vmem_shared>> -> memref<100000x8xf32, #tpu.memory_space<vmem_shared>>
      tpu.wait_indirect_dma semaphore(%arg16 : memref<!tpu.dma_semaphore, #tpu.memory_space<semaphore_mem>>) src(%dma_wait3A_54 : memref<100000x8xf32, #tpu.memory_space<vmem_shared>>) dst(%arg14 : memref<2000x8xf32, #tpu.memory_space<vmem>>)
      %dma_start3A_55 = arith.constant 0 : i32
      %dma_start3A_56 = tpu.memref_slice %arg6[%multiple_of3A_35, %dma_start3A_55] : memref<3200000x8xf32, #tpu.memory_space<hbm>> -> memref<2000x8xf32, #tpu.memory_space<hbm>>
      %dma_start3A_57 = arith.constant 0 : i32
      %dma_start3A_58 = tpu.memref_slice %arg6[%multiple_of3A_35, %dma_start3A_57] : memref<3200000x8xf32, #tpu.memory_space<hbm>> -> memref<2000x8xf32, #tpu.memory_space<hbm>>
      tpu.enqueue_dma source(%arg14 : memref<2000x8xf32, #tpu.memory_space<vmem>>) target(%dma_start3A_58 : memref<2000x8xf32, #tpu.memory_space<hbm>>) target_semaphore(%arg19 : memref<!tpu.dma_semaphore, #tpu.memory_space<semaphore_mem>>)
      %mul3A_59 = arith.constant 2 : i32
      %mul3A_60 = arith.muli %scan3A_25, %mul3A_59 : i32
      %add3A_61 = arith.constant 1 : i32
      %add3A_62 = arith.addi %mul3A_60, %add3A_61 : i32
      %mul3A_63 = arith.constant 100000 : i32
      %mul3A_64 = arith.muli %add3A, %mul3A_63 : i32
      %mul3A_65 = arith.constant 2000 : i32
      %mul3A_66 = arith.muli %add3A_62, %mul3A_65 : i32
      %add3A_67 = arith.addi %mul3A_64, %mul3A_66 : i32
      %multiple_of3A_68 = tpu.assume_multiple %add3A_67, 8 : i32
      %gt3A_69 = arith.constant 0 : i32
      %gt3A_70 = arith.cmpi sgt, %scan3A_25, %gt3A_69 : i32
      %convert_element_type3A_71 = arith.extui %gt3A_70 : i1 to i32
      %cond3A_72 = arith.constant 0 : i32
      %cond3A_73 = arith.cmpi ne, %convert_element_type3A_71, %cond3A_72 : i32
      scf.if %cond3A_73 {
        %dma_wait3A_94 = arith.constant 0 : i32
        %dma_wait3A_95 = tpu.memref_slice %arg5[%multiple_of3A_68, %dma_wait3A_94] : memref<3200000x8xf32, #tpu.memory_space<hbm>> -> memref<2000x8xf32, #tpu.memory_space<hbm>>
        %dma_wait3A_96 = arith.constant 0 : i32
        %dma_wait3A_97 = tpu.memref_slice %arg5[%multiple_of3A_68, %dma_wait3A_96] : memref<3200000x8xf32, #tpu.memory_space<hbm>> -> memref<2000x8xf32, #tpu.memory_space<hbm>>
        tpu.wait_dma2 semaphore(%arg18 : memref<!tpu.dma_semaphore, #tpu.memory_space<semaphore_mem>>) src(%arg13 : memref<2000x8xf32, #tpu.memory_space<vmem>>) dst(%dma_wait3A_97 : memref<2000x8xf32, #tpu.memory_space<hbm>>)
        %dma_wait3A_98 = arith.constant 0 : i32
        %dma_wait3A_99 = tpu.memref_slice %arg6[%multiple_of3A_68, %dma_wait3A_98] : memref<3200000x8xf32, #tpu.memory_space<hbm>> -> memref<2000x8xf32, #tpu.memory_space<hbm>>
        %dma_wait3A_100 = arith.constant 0 : i32
        %dma_wait3A_101 = tpu.memref_slice %arg6[%multiple_of3A_68, %dma_wait3A_100] : memref<3200000x8xf32, #tpu.memory_space<hbm>> -> memref<2000x8xf32, #tpu.memory_space<hbm>>
        tpu.wait_dma2 semaphore(%arg20 : memref<!tpu.dma_semaphore, #tpu.memory_space<semaphore_mem>>) src(%arg15 : memref<2000x8xf32, #tpu.memory_space<vmem>>) dst(%dma_wait3A_101 : memref<2000x8xf32, #tpu.memory_space<hbm>>)
      } else {
      }
      "tpu.region"() ({
        %run_scoped3A = tpu.sem_alloc : memref<!tpu.dma_semaphore, #tpu.memory_space<semaphore_mem>>
        %dma_start3A_94 = tpu.memref_slice %arg3[%multiple_of3A_68] : memref<3200000xi32, #tpu.memory_space<hbm>> -> memref<2000xi32, #tpu.memory_space<hbm>>
        %dma_start3A_95 = tpu.memref_slice %arg3[%multiple_of3A_68] : memref<3200000xi32, #tpu.memory_space<hbm>> -> memref<2000xi32, #tpu.memory_space<hbm>>
        tpu.enqueue_dma source(%dma_start3A_95 : memref<2000xi32, #tpu.memory_space<hbm>>) target(%arg9 : memref<2000xi32, #tpu.memory_space<vmem>>) target_semaphore(%run_scoped3A : memref<!tpu.dma_semaphore, #tpu.memory_space<semaphore_mem>>)
        %dma_wait3A_96 = tpu.memref_slice %arg3[%multiple_of3A_68] : memref<3200000xi32, #tpu.memory_space<hbm>> -> memref<2000xi32, #tpu.memory_space<hbm>>
        %dma_wait3A_97 = tpu.memref_slice %arg3[%multiple_of3A_68] : memref<3200000xi32, #tpu.memory_space<hbm>> -> memref<2000xi32, #tpu.memory_space<hbm>>
        tpu.wait_dma2 semaphore(%run_scoped3A : memref<!tpu.dma_semaphore, #tpu.memory_space<semaphore_mem>>) src(%dma_wait3A_97 : memref<2000xi32, #tpu.memory_space<hbm>>) dst(%arg9 : memref<2000xi32, #tpu.memory_space<vmem>>)
        tpu.yield
      }) : () -> ()
      %dma_start3A_74 = arith.constant 0 : i32
      %dma_start3A_75 = arith.constant 0 : i32
      %dma_start3A_76 = tpu.memref_slice %arg7[%dma_start3A_74, %dma_start3A_75] : memref<100000x8xf32, #tpu.memory_space<vmem_shared>> -> memref<100000x8xf32, #tpu.memory_space<vmem_shared>>
      tpu.enqueue_indirect_dma source(%dma_start3A_76 : memref<100000x8xf32, #tpu.memory_space<vmem_shared>>) target(%arg13 : memref<2000x8xf32, #tpu.memory_space<vmem>>) offsets(%arg9 : memref<2000xi32, #tpu.memory_space<vmem>>) semaphore(%arg16 : memref<!tpu.dma_semaphore, #tpu.memory_space<semaphore_mem>>)
      %dma_wait3A_77 = arith.constant 0 : i32
      %dma_wait3A_78 = arith.constant 0 : i32
      %dma_wait3A_79 = tpu.memref_slice %arg7[%dma_wait3A_77, %dma_wait3A_78] : memref<100000x8xf32, #tpu.memory_space<vmem_shared>> -> memref<100000x8xf32, #tpu.memory_space<vmem_shared>>
      tpu.wait_indirect_dma semaphore(%arg16 : memref<!tpu.dma_semaphore, #tpu.memory_space<semaphore_mem>>) src(%dma_wait3A_79 : memref<100000x8xf32, #tpu.memory_space<vmem_shared>>) dst(%arg13 : memref<2000x8xf32, #tpu.memory_space<vmem>>)
      %dma_start3A_80 = arith.constant 0 : i32
      %dma_start3A_81 = tpu.memref_slice %arg5[%multiple_of3A_68, %dma_start3A_80] : memref<3200000x8xf32, #tpu.memory_space<hbm>> -> memref<2000x8xf32, #tpu.memory_space<hbm>>
      %dma_start3A_82 = arith.constant 0 : i32
      %dma_start3A_83 = tpu.memref_slice %arg5[%multiple_of3A_68, %dma_start3A_82] : memref<3200000x8xf32, #tpu.memory_space<hbm>> -> memref<2000x8xf32, #tpu.memory_space<hbm>>
      tpu.enqueue_dma source(%arg13 : memref<2000x8xf32, #tpu.memory_space<vmem>>) target(%dma_start3A_83 : memref<2000x8xf32, #tpu.memory_space<hbm>>) target_semaphore(%arg18 : memref<!tpu.dma_semaphore, #tpu.memory_space<semaphore_mem>>)
      "tpu.region"() ({
        %run_scoped3A = tpu.sem_alloc : memref<!tpu.dma_semaphore, #tpu.memory_space<semaphore_mem>>
        %dma_start3A_94 = tpu.memref_slice %arg4[%multiple_of3A_68] : memref<3200000xi32, #tpu.memory_space<hbm>> -> memref<2000xi32, #tpu.memory_space<hbm>>
        %dma_start3A_95 = tpu.memref_slice %arg4[%multiple_of3A_68] : memref<3200000xi32, #tpu.memory_space<hbm>> -> memref<2000xi32, #tpu.memory_space<hbm>>
        tpu.enqueue_dma source(%dma_start3A_95 : memref<2000xi32, #tpu.memory_space<hbm>>) target(%arg11 : memref<2000xi32, #tpu.memory_space<vmem>>) target_semaphore(%run_scoped3A : memref<!tpu.dma_semaphore, #tpu.memory_space<semaphore_mem>>)
        %dma_wait3A_96 = tpu.memref_slice %arg4[%multiple_of3A_68] : memref<3200000xi32, #tpu.memory_space<hbm>> -> memref<2000xi32, #tpu.memory_space<hbm>>
        %dma_wait3A_97 = tpu.memref_slice %arg4[%multiple_of3A_68] : memref<3200000xi32, #tpu.memory_space<hbm>> -> memref<2000xi32, #tpu.memory_space<hbm>>
        tpu.wait_dma2 semaphore(%run_scoped3A : memref<!tpu.dma_semaphore, #tpu.memory_space<semaphore_mem>>) src(%dma_wait3A_97 : memref<2000xi32, #tpu.memory_space<hbm>>) dst(%arg11 : memref<2000xi32, #tpu.memory_space<vmem>>)
        tpu.yield
      }) : () -> ()
      %dma_start3A_84 = arith.constant 0 : i32
      %dma_start3A_85 = arith.constant 0 : i32
      %dma_start3A_86 = tpu.memref_slice %arg7[%dma_start3A_84, %dma_start3A_85] : memref<100000x8xf32, #tpu.memory_space<vmem_shared>> -> memref<100000x8xf32, #tpu.memory_space<vmem_shared>>
      tpu.enqueue_indirect_dma source(%dma_start3A_86 : memref<100000x8xf32, #tpu.memory_space<vmem_shared>>) target(%arg15 : memref<2000x8xf32, #tpu.memory_space<vmem>>) offsets(%arg11 : memref<2000xi32, #tpu.memory_space<vmem>>) semaphore(%arg16 : memref<!tpu.dma_semaphore, #tpu.memory_space<semaphore_mem>>)
      %dma_wait3A_87 = arith.constant 0 : i32
      %dma_wait3A_88 = arith.constant 0 : i32
      %dma_wait3A_89 = tpu.memref_slice %arg7[%dma_wait3A_87, %dma_wait3A_88] : memref<100000x8xf32, #tpu.memory_space<vmem_shared>> -> memref<100000x8xf32, #tpu.memory_space<vmem_shared>>
      tpu.wait_indirect_dma semaphore(%arg16 : memref<!tpu.dma_semaphore, #tpu.memory_space<semaphore_mem>>) src(%dma_wait3A_89 : memref<100000x8xf32, #tpu.memory_space<vmem_shared>>) dst(%arg15 : memref<2000x8xf32, #tpu.memory_space<vmem>>)
      %dma_start3A_90 = arith.constant 0 : i32
      %dma_start3A_91 = tpu.memref_slice %arg6[%multiple_of3A_68, %dma_start3A_90] : memref<3200000x8xf32, #tpu.memory_space<hbm>> -> memref<2000x8xf32, #tpu.memory_space<hbm>>
      %dma_start3A_92 = arith.constant 0 : i32
      %dma_start3A_93 = tpu.memref_slice %arg6[%multiple_of3A_68, %dma_start3A_92] : memref<3200000x8xf32, #tpu.memory_space<hbm>> -> memref<2000x8xf32, #tpu.memory_space<hbm>>
      tpu.enqueue_dma source(%arg15 : memref<2000x8xf32, #tpu.memory_space<vmem>>) target(%dma_start3A_93 : memref<2000x8xf32, #tpu.memory_space<hbm>>) target_semaphore(%arg20 : memref<!tpu.dma_semaphore, #tpu.memory_space<semaphore_mem>>)
    }
    %scan3A_7 = arith.constant 25 : i32
    %mul3A_8 = arith.constant 100000 : i32
    %mul3A_9 = arith.muli %add3A, %mul3A_8 : i32
    %multiple_of3A = tpu.assume_multiple %mul3A_9, 8 : i32
    %dma_wait3A = arith.constant 0 : i32
    %dma_wait3A_10 = tpu.memref_slice %arg5[%multiple_of3A, %dma_wait3A] : memref<3200000x8xf32, #tpu.memory_space<hbm>> -> memref<2000x8xf32, #tpu.memory_space<hbm>>
    %dma_wait3A_11 = arith.constant 0 : i32
    %dma_wait3A_12 = tpu.memref_slice %arg5[%multiple_of3A, %dma_wait3A_11] : memref<3200000x8xf32, #tpu.memory_space<hbm>> -> memref<2000x8xf32, #tpu.memory_space<hbm>>
    tpu.wait_dma2 semaphore(%arg17 : memref<!tpu.dma_semaphore, #tpu.memory_space<semaphore_mem>>) src(%arg12 : memref<2000x8xf32, #tpu.memory_space<vmem>>) dst(%dma_wait3A_12 : memref<2000x8xf32, #tpu.memory_space<hbm>>)
    %dma_wait3A_13 = arith.constant 0 : i32
    %dma_wait3A_14 = tpu.memref_slice %arg6[%multiple_of3A, %dma_wait3A_13] : memref<3200000x8xf32, #tpu.memory_space<hbm>> -> memref<2000x8xf32, #tpu.memory_space<hbm>>
    %dma_wait3A_15 = arith.constant 0 : i32
    %dma_wait3A_16 = tpu.memref_slice %arg6[%multiple_of3A, %dma_wait3A_15] : memref<3200000x8xf32, #tpu.memory_space<hbm>> -> memref<2000x8xf32, #tpu.memory_space<hbm>>
    tpu.wait_dma2 semaphore(%arg19 : memref<!tpu.dma_semaphore, #tpu.memory_space<semaphore_mem>>) src(%arg14 : memref<2000x8xf32, #tpu.memory_space<vmem>>) dst(%dma_wait3A_16 : memref<2000x8xf32, #tpu.memory_space<hbm>>)
    %dma_wait3A_17 = arith.constant 0 : i32
    %dma_wait3A_18 = tpu.memref_slice %arg5[%multiple_of3A, %dma_wait3A_17] : memref<3200000x8xf32, #tpu.memory_space<hbm>> -> memref<2000x8xf32, #tpu.memory_space<hbm>>
    %dma_wait3A_19 = arith.constant 0 : i32
    %dma_wait3A_20 = tpu.memref_slice %arg5[%multiple_of3A, %dma_wait3A_19] : memref<3200000x8xf32, #tpu.memory_space<hbm>> -> memref<2000x8xf32, #tpu.memory_space<hbm>>
    tpu.wait_dma2 semaphore(%arg18 : memref<!tpu.dma_semaphore, #tpu.memory_space<semaphore_mem>>) src(%arg13 : memref<2000x8xf32, #tpu.memory_space<vmem>>) dst(%dma_wait3A_20 : memref<2000x8xf32, #tpu.memory_space<hbm>>)
    %dma_wait3A_21 = arith.constant 0 : i32
    %dma_wait3A_22 = tpu.memref_slice %arg6[%multiple_of3A, %dma_wait3A_21] : memref<3200000x8xf32, #tpu.memory_space<hbm>> -> memref<2000x8xf32, #tpu.memory_space<hbm>>
    %dma_wait3A_23 = arith.constant 0 : i32
    %dma_wait3A_24 = tpu.memref_slice %arg6[%multiple_of3A, %dma_wait3A_23] : memref<3200000x8xf32, #tpu.memory_space<hbm>> -> memref<2000x8xf32, #tpu.memory_space<hbm>>
    tpu.wait_dma2 semaphore(%arg20 : memref<!tpu.dma_semaphore, #tpu.memory_space<semaphore_mem>>) src(%arg15 : memref<2000x8xf32, #tpu.memory_space<vmem>>) dst(%dma_wait3A_24 : memref<2000x8xf32, #tpu.memory_space<hbm>>)
    return
  }
}

module attributes {stable_mosaic.version = 14 : i64} {
  func.func @_k1_body(%arg0: memref<6250x128xf32, #tpu.memory_space<vmem>>, %arg1: memref<128x128xf32, #tpu.memory_space<vmem>>, %arg2: memref<1x128xf32, #tpu.memory_space<vmem>>, %arg3: memref<6250x128xf32, #tpu.memory_space<vmem>>) attributes {dimension_semantics = [], scalar_prefetch = 0 : i64, scratch_operands = 0 : i64, tpu.core_type = #tpu.core_type<tc>} {
    %get3A = arith.constant 0 : index
    %get3A_0 = arith.constant 0 : index
    %get3A_1 = vector.load %arg0[%get3A, %get3A_0] : memref<6250x128xf32, #tpu.memory_space<vmem>>, vector<6250x128xf32>
    %get3A_2 = arith.constant 0 : index
    %get3A_3 = arith.constant 0 : index
    %get3A_4 = vector.load %arg1[%get3A_2, %get3A_3] : memref<128x128xf32, #tpu.memory_space<vmem>>, vector<128x128xf32>
    %dot_general3A = arith.constant dense<0.000000e+00> : vector<6250x128xf32>
    %dot_general3A_5 = tpu.matmul %get3A_1, %get3A_4, %dot_general3A {dimension_numbers = #tpu.dot_dimension_numbers<[1], [0], [0], [1], [0, 0, 1, 1], [], []>, transpose_lhs_hint = false} : vector<6250x128xf32>, vector<128x128xf32>, vector<6250x128xf32> -> vector<6250x128xf32>
    %get3A_6 = arith.constant 0 : index
    %get3A_7 = arith.constant 0 : index
    %get3A_8 = vector.load %arg2[%get3A_6, %get3A_7] : memref<1x128xf32, #tpu.memory_space<vmem>>, vector<1x128xf32>
    %add3A = vector.broadcast %get3A_8 : vector<1x128xf32> to vector<6250x128xf32>
    %add3A_9 = arith.addf %dot_general3A_5, %add3A : vector<6250x128xf32>
    %swap3A = arith.constant 0 : index
    %swap3A_10 = arith.constant 0 : index
    %swap3A_11 = vector.load %arg3[%swap3A, %swap3A_10] : memref<6250x128xf32, #tpu.memory_space<vmem>>, vector<6250x128xf32>
    tpu.vector_store %arg3[%swap3A, %swap3A_10], %add3A_9 {strides = array<i32>} : memref<6250x128xf32, #tpu.memory_space<vmem>>, vector<6250x128xf32>,
    return
  }
}

module attributes {stable_mosaic.version = 14 : i64} {
  func.func @_k3_body(%arg0: i32, %arg1: memref<2000x128xf32, #tpu.memory_space<vmem>>, %arg2: memref<2000x128xf32, #tpu.memory_space<vmem>>, %arg3: memref<2x128x128xf32, #tpu.memory_space<vmem>>, %arg4: memref<2x128x128xf32, #tpu.memory_space<vmem>>, %arg5: memref<1x2x128xf32, #tpu.memory_space<vmem>>, %arg6: memref<2x2x128xf32, #tpu.memory_space<vmem>>) attributes {dimension_semantics = [#tpu.dimension_semantics<arbitrary>], iteration_bounds = array<i64: 100>, scalar_prefetch = 0 : i64, scratch_operands = 0 : i64, tpu.core_type = #tpu.core_type<tc>, window_params = [{transform_indices = @transform_0, window_bounds = array<i64: 2000, 128>}, {transform_indices = @transform_1, window_bounds = array<i64: 2000, 128>}, {pipeline_mode = #tpu.pipeline_mode<synchronous>, transform_indices = @transform_2, window_bounds = array<i64: 2, 128, 128>}, {pipeline_mode = #tpu.pipeline_mode<synchronous>, transform_indices = @transform_3, window_bounds = array<i64: 2, 128, 128>}, {pipeline_mode = #tpu.pipeline_mode<synchronous>, transform_indices = @transform_4, window_bounds = array<i64: 1, 2, 128>}, {pipeline_mode = #tpu.pipeline_mode<synchronous>, transform_indices = @transform_5, window_bounds = array<i64: 2, 2, 128>}]} {
    %eq3A = arith.constant 0 : i32
    %eq3A_0 = arith.cmpi eq, %arg0, %eq3A : i32
    %convert_element_type3A = arith.extui %eq3A_0 : i1 to i32
    %cond3A = arith.constant 0 : i32
    %cond3A_1 = arith.cmpi ne, %convert_element_type3A, %cond3A : i32
    scf.if %cond3A_1 {
      %broadcast_in_dim3A_109 = arith.constant 0.000000e+00 : f32
      %broadcast_in_dim3A_110 = vector.broadcast %broadcast_in_dim3A_109 : f32 to vector<2x2x128xf32>
      %swap3A_111 = arith.constant 0 : index
      %swap3A_112 = arith.constant 0 : index
      %swap3A_113 = arith.constant 0 : index
      %swap3A_114 = vector.load %arg6[%swap3A_111, %swap3A_112, %swap3A_113] : memref<2x2x128xf32, #tpu.memory_space<vmem>>, vector<2x2x128xf32>
      tpu.vector_store %arg6[%swap3A_111, %swap3A_112, %swap3A_113], %broadcast_in_dim3A_110 {strides = array<i32>} : memref<2x2x128xf32, #tpu.memory_space<vmem>>, vector<2x2x128xf32>,
    } else {
    }
    %get3A = arith.constant 0 : index
    %get3A_2 = arith.constant 0 : index
    %get3A_3 = vector.load %arg1[%get3A, %get3A_2] : memref<2000x128xf32, #tpu.memory_space<vmem>>, vector<2000x128xf32>
    %get3A_4 = arith.constant 0 : index
    %get3A_5 = arith.constant 0 : index
    %get3A_6 = vector.load %arg2[%get3A_4, %get3A_5] : memref<2000x128xf32, #tpu.memory_space<vmem>>, vector<2000x128xf32>
    %get3A_7 = arith.constant 0 : index
    %get3A_8 = arith.constant 0 : index
    %get3A_9 = arith.constant 0 : index
    %get3A_10 = vector.load %arg3[%get3A_7, %get3A_8, %get3A_9] : memref<2x128x128xf32, #tpu.memory_space<vmem>>, vector<1x128x128xf32>
    %get3A_11 = vector.shape_cast %get3A_10 : vector<1x128x128xf32> to vector<128x128xf32>
    %dot_general3A = arith.constant dense<0.000000e+00> : vector<2000x128xf32>
    %dot_general3A_12 = tpu.matmul %get3A_3, %get3A_11, %dot_general3A {dimension_numbers = #tpu.dot_dimension_numbers<[1], [0], [0], [1], [0, 0, 1, 1], [], []>, transpose_lhs_hint = false} : vector<2000x128xf32>, vector<128x128xf32>, vector<2000x128xf32> -> vector<2000x128xf32>
    %get3A_13 = arith.constant 0 : index
    %get3A_14 = arith.constant 0 : index
    %get3A_15 = arith.constant 0 : index
    %get3A_16 = vector.load %arg4[%get3A_13, %get3A_14, %get3A_15] : memref<2x128x128xf32, #tpu.memory_space<vmem>>, vector<1x128x128xf32>
    %get3A_17 = vector.shape_cast %get3A_16 : vector<1x128x128xf32> to vector<128x128xf32>
    %dot_general3A_18 = arith.constant dense<0.000000e+00> : vector<2000x128xf32>
    %dot_general3A_19 = tpu.matmul %get3A_6, %get3A_17, %dot_general3A_18 {dimension_numbers = #tpu.dot_dimension_numbers<[1], [0], [0], [1], [0, 0, 1, 1], [], []>, transpose_lhs_hint = false} : vector<2000x128xf32>, vector<128x128xf32>, vector<2000x128xf32> -> vector<2000x128xf32>
    %add3A = arith.addf %dot_general3A_12, %dot_general3A_19 : vector<2000x128xf32>
    %get3A_20 = arith.constant 0 : index
    %get3A_21 = arith.constant 0 : index
    %get3A_22 = arith.constant 0 : index
    %get3A_23 = vector.load %arg5[%get3A_20, %get3A_21, %get3A_22] : memref<1x2x128xf32, #tpu.memory_space<vmem>>, vector<1x1x128xf32>
    %get3A_24 = vector.shape_cast %get3A_23 : vector<1x1x128xf32> to vector<128xf32>
    %broadcast_in_dim3A = vector.shape_cast %get3A_24 : vector<128xf32> to vector<1x128xf32>
    %add3A_25 = vector.broadcast %broadcast_in_dim3A : vector<1x128xf32> to vector<2000x128xf32>
    %add3A_26 = arith.addf %add3A, %add3A_25 : vector<2000x128xf32>
    %get3A_27 = arith.constant 0 : index
    %get3A_28 = arith.constant 0 : index
    %get3A_29 = arith.constant 0 : index
    %get3A_30 = vector.load %arg6[%get3A_27, %get3A_28, %get3A_29] : memref<2x2x128xf32, #tpu.memory_space<vmem>>, vector<1x1x128xf32>
    %get3A_31 = vector.shape_cast %get3A_30 : vector<1x1x128xf32> to vector<1x128xf32>
    %reduce_sum3A = arith.constant dense<0.000000e+00> : vector<128xf32>
    %reduce_sum3A_32 = vector.multi_reduction <add>, %add3A_26, %reduce_sum3A [0] : vector<2000x128xf32> to vector<128xf32>
    %broadcast_in_dim3A_33 = vector.shape_cast %reduce_sum3A_32 : vector<128xf32> to vector<1x128xf32>
    %add3A_34 = arith.addf %get3A_31, %broadcast_in_dim3A_33 : vector<1x128xf32>
    %swap3A = arith.constant 0 : index
    %swap3A_35 = arith.constant 0 : index
    %swap3A_36 = arith.constant 0 : index
    %swap3A_37 = vector.load %arg6[%swap3A, %swap3A_35, %swap3A_36] : memref<2x2x128xf32, #tpu.memory_space<vmem>>, vector<1x1x128xf32>
    %swap3A_38 = vector.shape_cast %swap3A_37 : vector<1x1x128xf32> to vector<1x128xf32>
    %swap3A_39 = vector.shape_cast %add3A_34 : vector<1x128xf32> to vector<1x1x128xf32>
    tpu.vector_store %arg6[%swap3A, %swap3A_35, %swap3A_36], %swap3A_39 {strides = array<i32>} : memref<2x2x128xf32, #tpu.memory_space<vmem>>, vector<1x1x128xf32>,
    %get3A_40 = arith.constant 0 : index
    %get3A_41 = arith.constant 1 : index
    %get3A_42 = arith.constant 0 : index
    %get3A_43 = vector.load %arg6[%get3A_40, %get3A_41, %get3A_42] : memref<2x2x128xf32, #tpu.memory_space<vmem>>, vector<1x1x128xf32>
    %get3A_44 = vector.shape_cast %get3A_43 : vector<1x1x128xf32> to vector<1x128xf32>
    %mul3A = arith.mulf %add3A_26, %add3A_26 : vector<2000x128xf32>
    %reduce_sum3A_45 = arith.constant dense<0.000000e+00> : vector<128xf32>
    %reduce_sum3A_46 = vector.multi_reduction <add>, %mul3A, %reduce_sum3A_45 [0] : vector<2000x128xf32> to vector<128xf32>
    %broadcast_in_dim3A_47 = vector.shape_cast %reduce_sum3A_46 : vector<128xf32> to vector<1x128xf32>
    %add3A_48 = arith.addf %get3A_44, %broadcast_in_dim3A_47 : vector<1x128xf32>
    %swap3A_49 = arith.constant 0 : index
    %swap3A_50 = arith.constant 1 : index
    %swap3A_51 = arith.constant 0 : index
    %swap3A_52 = vector.load %arg6[%swap3A_49, %swap3A_50, %swap3A_51] : memref<2x2x128xf32, #tpu.memory_space<vmem>>, vector<1x1x128xf32>
    %swap3A_53 = vector.shape_cast %swap3A_52 : vector<1x1x128xf32> to vector<1x128xf32>
    %swap3A_54 = vector.shape_cast %add3A_48 : vector<1x128xf32> to vector<1x1x128xf32>
    tpu.vector_store %arg6[%swap3A_49, %swap3A_50, %swap3A_51], %swap3A_54 {strides = array<i32>} : memref<2x2x128xf32, #tpu.memory_space<vmem>>, vector<1x1x128xf32>,
    %get3A_55 = arith.constant 1 : index
    %get3A_56 = arith.constant 0 : index
    %get3A_57 = arith.constant 0 : index
    %get3A_58 = vector.load %arg3[%get3A_55, %get3A_56, %get3A_57] : memref<2x128x128xf32, #tpu.memory_space<vmem>>, vector<1x128x128xf32>
    %get3A_59 = vector.shape_cast %get3A_58 : vector<1x128x128xf32> to vector<128x128xf32>
    %dot_general3A_60 = arith.constant dense<0.000000e+00> : vector<2000x128xf32>
    %dot_general3A_61 = tpu.matmul %get3A_3, %get3A_59, %dot_general3A_60 {dimension_numbers = #tpu.dot_dimension_numbers<[1], [0], [0], [1], [0, 0, 1, 1], [], []>, transpose_lhs_hint = false} : vector<2000x128xf32>, vector<128x128xf32>, vector<2000x128xf32> -> vector<2000x128xf32>
    %get3A_62 = arith.constant 1 : index
    %get3A_63 = arith.constant 0 : index
    %get3A_64 = arith.constant 0 : index
    %get3A_65 = vector.load %arg4[%get3A_62, %get3A_63, %get3A_64] : memref<2x128x128xf32, #tpu.memory_space<vmem>>, vector<1x128x128xf32>
    %get3A_66 = vector.shape_cast %get3A_65 : vector<1x128x128xf32> to vector<128x128xf32>
    %dot_general3A_67 = arith.constant dense<0.000000e+00> : vector<2000x128xf32>
    %dot_general3A_68 = tpu.matmul %get3A_6, %get3A_66, %dot_general3A_67 {dimension_numbers = #tpu.dot_dimension_numbers<[1], [0], [0], [1], [0, 0, 1, 1], [], []>, transpose_lhs_hint = false} : vector<2000x128xf32>, vector<128x128xf32>, vector<2000x128xf32> -> vector<2000x128xf32>
    %add3A_69 = arith.addf %dot_general3A_61, %dot_general3A_68 : vector<2000x128xf32>
    %get3A_70 = arith.constant 0 : index
    %get3A_71 = arith.constant 1 : index
    %get3A_72 = arith.constant 0 : index
    %get3A_73 = vector.load %arg5[%get3A_70, %get3A_71, %get3A_72] : memref<1x2x128xf32, #tpu.memory_space<vmem>>, vector<1x1x128xf32>
    %get3A_74 = vector.shape_cast %get3A_73 : vector<1x1x128xf32> to vector<128xf32>
    %broadcast_in_dim3A_75 = vector.shape_cast %get3A_74 : vector<128xf32> to vector<1x128xf32>
    %add3A_76 = vector.broadcast %broadcast_in_dim3A_75 : vector<1x128xf32> to vector<2000x128xf32>
    %add3A_77 = arith.addf %add3A_69, %add3A_76 : vector<2000x128xf32>
    %get3A_78 = arith.constant 1 : index
    %get3A_79 = arith.constant 0 : index
    %get3A_80 = arith.constant 0 : index
    %get3A_81 = vector.load %arg6[%get3A_78, %get3A_79, %get3A_80] : memref<2x2x128xf32, #tpu.memory_space<vmem>>, vector<1x1x128xf32>
    %get3A_82 = vector.shape_cast %get3A_81 : vector<1x1x128xf32> to vector<1x128xf32>
    %reduce_sum3A_83 = arith.constant dense<0.000000e+00> : vector<128xf32>
    %reduce_sum3A_84 = vector.multi_reduction <add>, %add3A_77, %reduce_sum3A_83 [0] : vector<2000x128xf32> to vector<128xf32>
    %broadcast_in_dim3A_85 = vector.shape_cast %reduce_sum3A_84 : vector<128xf32> to vector<1x128xf32>
    %add3A_86 = arith.addf %get3A_82, %broadcast_in_dim3A_85 : vector<1x128xf32>
    %swap3A_87 = arith.constant 1 : index
    %swap3A_88 = arith.constant 0 : index
    %swap3A_89 = arith.constant 0 : index
    %swap3A_90 = vector.load %arg6[%swap3A_87, %swap3A_88, %swap3A_89] : memref<2x2x128xf32, #tpu.memory_space<vmem>>, vector<1x1x128xf32>
    %swap3A_91 = vector.shape_cast %swap3A_90 : vector<1x1x128xf32> to vector<1x128xf32>
    %swap3A_92 = vector.shape_cast %add3A_86 : vector<1x128xf32> to vector<1x1x128xf32>
    tpu.vector_store %arg6[%swap3A_87, %swap3A_88, %swap3A_89], %swap3A_92 {strides = array<i32>} : memref<2x2x128xf32, #tpu.memory_space<vmem>>, vector<1x1x128xf32>,
    %get3A_93 = arith.constant 1 : index
    %get3A_94 = arith.constant 1 : index
    %get3A_95 = arith.constant 0 : index
    %get3A_96 = vector.load %arg6[%get3A_93, %get3A_94, %get3A_95] : memref<2x2x128xf32, #tpu.memory_space<vmem>>, vector<1x1x128xf32>
    %get3A_97 = vector.shape_cast %get3A_96 : vector<1x1x128xf32> to vector<1x128xf32>
    %mul3A_98 = arith.mulf %add3A_77, %add3A_77 : vector<2000x128xf32>
    %reduce_sum3A_99 = arith.constant dense<0.000000e+00> : vector<128xf32>
    %reduce_sum3A_100 = vector.multi_reduction <add>, %mul3A_98, %reduce_sum3A_99 [0] : vector<2000x128xf32> to vector<128xf32>
    %broadcast_in_dim3A_101 = vector.shape_cast %reduce_sum3A_100 : vector<128xf32> to vector<1x128xf32>
    %add3A_102 = arith.addf %get3A_97, %broadcast_in_dim3A_101 : vector<1x128xf32>
    %swap3A_103 = arith.constant 1 : index
    %swap3A_104 = arith.constant 1 : index
    %swap3A_105 = arith.constant 0 : index
    %swap3A_106 = vector.load %arg6[%swap3A_103, %swap3A_104, %swap3A_105] : memref<2x2x128xf32, #tpu.memory_space<vmem>>, vector<1x1x128xf32>
    %swap3A_107 = vector.shape_cast %swap3A_106 : vector<1x1x128xf32> to vector<1x128xf32>
    %swap3A_108 = vector.shape_cast %add3A_102 : vector<1x128xf32> to vector<1x1x128xf32>
    tpu.vector_store %arg6[%swap3A_103, %swap3A_104, %swap3A_105], %swap3A_108 {strides = array<i32>} : memref<2x2x128xf32, #tpu.memory_space<vmem>>, vector<1x1x128xf32>,
    return
  }
  func.func @transform_0(%arg0: i32) -> (i32, i32) {
    %c0_i32 = arith.constant 0 : i32
    %c0_i32_0 = arith.constant 0 : i32
    return %arg0, %c0_i32 : i32, i32
  }
  func.func @transform_1(%arg0: i32) -> (i32, i32) {
    %c0_i32 = arith.constant 0 : i32
    %c0_i32_0 = arith.constant 0 : i32
    return %arg0, %c0_i32 : i32, i32
  }
  func.func @transform_2(%arg0: i32) -> (i32, i32, i32) {
    %c0_i32 = arith.constant 0 : i32
    %c0_i32_0 = arith.constant 0 : i32
    %c0_i32_1 = arith.constant 0 : i32
    %c0_i32_2 = arith.constant 0 : i32
    return %c0_i32, %c0_i32_0, %c0_i32_1 : i32, i32, i32
  }
  func.func @transform_3(%arg0: i32) -> (i32, i32, i32) {
    %c0_i32 = arith.constant 0 : i32
    %c0_i32_0 = arith.constant 0 : i32
    %c0_i32_1 = arith.constant 0 : i32
    %c0_i32_2 = arith.constant 0 : i32
    return %c0_i32, %c0_i32_0, %c0_i32_1 : i32, i32, i32
  }
  func.func @transform_4(%arg0: i32) -> (i32, i32, i32) {
    %c0_i32 = arith.constant 0 : i32
    %c0_i32_0 = arith.constant 0 : i32
    %c0_i32_1 = arith.constant 0 : i32
    %c0_i32_2 = arith.constant 0 : i32
    return %c0_i32, %c0_i32_0, %c0_i32_1 : i32, i32, i32
  }
  func.func @transform_5(%arg0: i32) -> (i32, i32, i32) {
    %c0_i32 = arith.constant 0 : i32
    %c0_i32_0 = arith.constant 0 : i32
    %c0_i32_1 = arith.constant 0 : i32
    %c0_i32_2 = arith.constant 0 : i32
    return %c0_i32, %c0_i32_0, %c0_i32_1 : i32, i32, i32
  }
}

module attributes {stable_mosaic.version = 14 : i64} {
  func.func @_k5_body(%arg0: i32, %arg1: memref<2000x128xf32, #tpu.memory_space<vmem>>, %arg2: memref<2000x16xf32, #tpu.memory_space<vmem>>, %arg3: memref<2x128xf32, #tpu.memory_space<vmem>>, %arg4: memref<1x128xf32, #tpu.memory_space<vmem>>, %arg5: memref<1x128xf32, #tpu.memory_space<vmem>>, %arg6: memref<128x128xf32, #tpu.memory_space<vmem>>, %arg7: memref<16x128xf32, #tpu.memory_space<vmem>>, %arg8: memref<1x128xf32, #tpu.memory_space<vmem>>, %arg9: memref<1x128xf32, #tpu.memory_space<vmem>>, %arg10: memref<2000x128xf32, #tpu.memory_space<vmem>>) attributes {dimension_semantics = [#tpu.dimension_semantics<arbitrary>], iteration_bounds = array<i64: 100>, scalar_prefetch = 0 : i64, scratch_operands = 0 : i64, tpu.core_type = #tpu.core_type<tc>, window_params = [{transform_indices = @transform_0, window_bounds = array<i64: 2000, 128>}, {transform_indices = @transform_1, window_bounds = array<i64: 2000, 16>}, {pipeline_mode = #tpu.pipeline_mode<synchronous>, transform_indices = @transform_2, window_bounds = array<i64: 2, 128>}, {pipeline_mode = #tpu.pipeline_mode<synchronous>, transform_indices = @transform_3, window_bounds = array<i64: 1, 128>}, {pipeline_mode = #tpu.pipeline_mode<synchronous>, transform_indices = @transform_4, window_bounds = array<i64: 1, 128>}, {pipeline_mode = #tpu.pipeline_mode<synchronous>, transform_indices = @transform_5, window_bounds = array<i64: 128, 128>}, {pipeline_mode = #tpu.pipeline_mode<synchronous>, transform_indices = @transform_6, window_bounds = array<i64: 16, 128>}, {pipeline_mode = #tpu.pipeline_mode<synchronous>, transform_indices = @transform_7, window_bounds = array<i64: 1, 128>}, {pipeline_mode = #tpu.pipeline_mode<synchronous>, transform_indices = @transform_8, window_bounds = array<i64: 1, 128>}, {transform_indices = @transform_9, window_bounds = array<i64: 2000, 128>}]} {
    %get3A = arith.constant 0 : index
    %get3A_0 = arith.constant 0 : index
    %get3A_1 = vector.load %arg6[%get3A, %get3A_0] : memref<128x128xf32, #tpu.memory_space<vmem>>, vector<128x128xf32>
    %get3A_2 = arith.constant 0 : index
    %get3A_3 = arith.constant 0 : index
    %get3A_4 = vector.load %arg3[%get3A_2, %get3A_3] : memref<2x128xf32, #tpu.memory_space<vmem>>, vector<1x128xf32>
    %dot_general3A = arith.constant dense<0.000000e+00> : vector<1x128xf32>
    %dot_general3A_5 = tpu.matmul %get3A_4, %get3A_1, %dot_general3A {dimension_numbers = #tpu.dot_dimension_numbers<[1], [0], [0], [1], [0, 0, 1, 1], [], []>, transpose_lhs_hint = false} : vector<1x128xf32>, vector<128x128xf32>, vector<1x128xf32> -> vector<1x128xf32>
    %mul3A = arith.constant 3.125000e-07 : f32
    %mul3A_6 = vector.broadcast %mul3A : f32 to vector<1x128xf32>
    %mul3A_7 = arith.mulf %dot_general3A_5, %mul3A_6 : vector<1x128xf32>
    %get3A_8 = arith.constant 1 : index
    %get3A_9 = arith.constant 0 : index
    %get3A_10 = vector.load %arg3[%get3A_8, %get3A_9] : memref<2x128xf32, #tpu.memory_space<vmem>>, vector<1x128xf32>
    %dot_general3A_11 = arith.constant dense<0.000000e+00> : vector<1x128xf32>
    %dot_general3A_12 = tpu.matmul %get3A_10, %get3A_1, %dot_general3A_11 {dimension_numbers = #tpu.dot_dimension_numbers<[1], [0], [0], [1], [0, 0, 1, 1], [], []>, transpose_lhs_hint = false} : vector<1x128xf32>, vector<128x128xf32>, vector<1x128xf32> -> vector<1x128xf32>
    %mul3A_13 = arith.constant 3.125000e-07 : f32
    %mul3A_14 = vector.broadcast %mul3A_13 : f32 to vector<1x128xf32>
    %mul3A_15 = arith.mulf %dot_general3A_12, %mul3A_14 : vector<1x128xf32>
    %mul3A_16 = arith.mulf %mul3A_7, %mul3A_7 : vector<1x128xf32>
    %sub3A = arith.subf %mul3A_15, %mul3A_16 : vector<1x128xf32>
    %get3A_17 = arith.constant 0 : index
    %get3A_18 = arith.constant 0 : index
    %get3A_19 = vector.load %arg4[%get3A_17, %get3A_18] : memref<1x128xf32, #tpu.memory_space<vmem>>, vector<1x128xf32>
    %add3A = arith.constant 9.99999974E-6 : f32
    %add3A_20 = vector.broadcast %add3A : f32 to vector<1x128xf32>
    %add3A_21 = arith.addf %sub3A, %add3A_20 : vector<1x128xf32>
    %rsqrt3A = math.rsqrt %add3A_21 : vector<1x128xf32>
    %mul3A_22 = arith.mulf %get3A_19, %rsqrt3A : vector<1x128xf32>
    %get3A_23 = arith.constant 0 : index
    %get3A_24 = arith.constant 0 : index
    %get3A_25 = vector.load %arg5[%get3A_23, %get3A_24] : memref<1x128xf32, #tpu.memory_space<vmem>>, vector<1x128xf32>
    %mul3A_26 = arith.mulf %mul3A_7, %mul3A_22 : vector<1x128xf32>
    %sub3A_27 = arith.subf %get3A_25, %mul3A_26 : vector<1x128xf32>
    %get3A_28 = arith.constant 0 : index
    %get3A_29 = arith.constant 0 : index
    %get3A_30 = vector.load %arg1[%get3A_28, %get3A_29] : memref<2000x128xf32, #tpu.memory_space<vmem>>, vector<2000x128xf32>
    %mul3A_31 = vector.broadcast %mul3A_22 : vector<1x128xf32> to vector<2000x128xf32>
    %mul3A_32 = arith.mulf %get3A_30, %mul3A_31 : vector<2000x128xf32>
    %add3A_33 = vector.broadcast %sub3A_27 : vector<1x128xf32> to vector<2000x128xf32>
    %add3A_34 = arith.addf %mul3A_32, %add3A_33 : vector<2000x128xf32>
    %tanh3A = math.tanh %add3A_34 : vector<2000x128xf32>
    %get3A_35 = arith.constant 0 : index
    %get3A_36 = arith.constant 0 : index
    %get3A_37 = vector.load %arg2[%get3A_35, %get3A_36] : memref<2000x16xf32, #tpu.memory_space<vmem>>, vector<2000x16xf32>
    %get3A_38 = arith.constant 0 : index
    %get3A_39 = arith.constant 0 : index
    %get3A_40 = vector.load %arg7[%get3A_38, %get3A_39] : memref<16x128xf32, #tpu.memory_space<vmem>>, vector<16x128xf32>
    %dot_general3A_41 = arith.constant dense<0.000000e+00> : vector<2000x128xf32>
    %dot_general3A_42 = tpu.matmul %get3A_37, %get3A_40, %dot_general3A_41 {dimension_numbers = #tpu.dot_dimension_numbers<[1], [0], [0], [1], [0, 0, 1, 1], [], []>, transpose_lhs_hint = false} : vector<2000x16xf32>, vector<16x128xf32>, vector<2000x128xf32> -> vector<2000x128xf32>
    %mul3A_43 = arith.mulf %tanh3A, %dot_general3A_42 : vector<2000x128xf32>
    %get3A_44 = arith.constant 0 : index
    %get3A_45 = arith.constant 0 : index
    %get3A_46 = vector.load %arg8[%get3A_44, %get3A_45] : memref<1x128xf32, #tpu.memory_space<vmem>>, vector<1x128xf32>
    %mul3A_47 = vector.broadcast %get3A_46 : vector<1x128xf32> to vector<2000x128xf32>
    %mul3A_48 = arith.mulf %mul3A_43, %mul3A_47 : vector<2000x128xf32>
    %get3A_49 = arith.constant 0 : index
    %get3A_50 = arith.constant 0 : index
    %get3A_51 = vector.load %arg9[%get3A_49, %get3A_50] : memref<1x128xf32, #tpu.memory_space<vmem>>, vector<1x128xf32>
    %add3A_52 = vector.broadcast %get3A_51 : vector<1x128xf32> to vector<2000x128xf32>
    %add3A_53 = arith.addf %mul3A_48, %add3A_52 : vector<2000x128xf32>
    %swap3A = arith.constant 0 : index
    %swap3A_54 = arith.constant 0 : index
    %swap3A_55 = vector.load %arg10[%swap3A, %swap3A_54] : memref<2000x128xf32, #tpu.memory_space<vmem>>, vector<2000x128xf32>
    tpu.vector_store %arg10[%swap3A, %swap3A_54], %add3A_53 {strides = array<i32>} : memref<2000x128xf32, #tpu.memory_space<vmem>>, vector<2000x128xf32>,
    return
  }
  func.func @transform_0(%arg0: i32) -> (i32, i32) {
    %c0_i32 = arith.constant 0 : i32
    %c0_i32_0 = arith.constant 0 : i32
    return %arg0, %c0_i32 : i32, i32
  }
  func.func @transform_1(%arg0: i32) -> (i32, i32) {
    %c0_i32 = arith.constant 0 : i32
    %c0_i32_0 = arith.constant 0 : i32
    return %arg0, %c0_i32 : i32, i32
  }
  func.func @transform_2(%arg0: i32) -> (i32, i32) {
    %c0_i32 = arith.constant 0 : i32
    %c0_i32_0 = arith.constant 0 : i32
    %c0_i32_1 = arith.constant 0 : i32
    return %c0_i32, %c0_i32_0 : i32, i32
  }
  func.func @transform_3(%arg0: i32) -> (i32, i32) {
    %c0_i32 = arith.constant 0 : i32
    %c0_i32_0 = arith.constant 0 : i32
    %c0_i32_1 = arith.constant 0 : i32
    return %c0_i32, %c0_i32_0 : i32, i32
  }
  func.func @transform_4(%arg0: i32) -> (i32, i32) {
    %c0_i32 = arith.constant 0 : i32
    %c0_i32_0 = arith.constant 0 : i32
    %c0_i32_1 = arith.constant 0 : i32
    return %c0_i32, %c0_i32_0 : i32, i32
  }
  func.func @transform_5(%arg0: i32) -> (i32, i32) {
    %c0_i32 = arith.constant 0 : i32
    %c0_i32_0 = arith.constant 0 : i32
    %c0_i32_1 = arith.constant 0 : i32
    return %c0_i32, %c0_i32_0 : i32, i32
  }
  func.func @transform_6(%arg0: i32) -> (i32, i32) {
    %c0_i32 = arith.constant 0 : i32
    %c0_i32_0 = arith.constant 0 : i32
    %c0_i32_1 = arith.constant 0 : i32
    return %c0_i32, %c0_i32_0 : i32, i32
  }
  func.func @transform_7(%arg0: i32) -> (i32, i32) {
    %c0_i32 = arith.constant 0 : i32
    %c0_i32_0 = arith.constant 0 : i32
    %c0_i32_1 = arith.constant 0 : i32
    return %c0_i32, %c0_i32_0 : i32, i32
  }
  func.func @transform_8(%arg0: i32) -> (i32, i32) {
    %c0_i32 = arith.constant 0 : i32
    %c0_i32_0 = arith.constant 0 : i32
    %c0_i32_1 = arith.constant 0 : i32
    return %c0_i32, %c0_i32_0 : i32, i32
  }
  func.func @transform_9(%arg0: i32) -> (i32, i32) {
    %c0_i32 = arith.constant 0 : i32
    %c0_i32_0 = arith.constant 0 : i32
    return %arg0, %c0_i32 : i32, i32
  }
}

module attributes {stable_mosaic.version = 14 : i64} {
  func.func @_k4_body(%arg0: i32, %arg1: memref<2000x128xf32, #tpu.memory_space<vmem>>, %arg2: memref<2000x128xf32, #tpu.memory_space<vmem>>, %arg3: memref<2x128x128xf32, #tpu.memory_space<vmem>>, %arg4: memref<2x128x128xf32, #tpu.memory_space<vmem>>, %arg5: memref<1x2x128xf32, #tpu.memory_space<vmem>>, %arg6: memref<2x2x128xf32, #tpu.memory_space<vmem>>, %arg7: memref<1x2x128xf32, #tpu.memory_space<vmem>>, %arg8: memref<1x2x128xf32, #tpu.memory_space<vmem>>, %arg9: memref<2x128x128xf32, #tpu.memory_space<vmem>>, %arg10: memref<1x128xf32, #tpu.memory_space<vmem>>, %arg11: memref<128x128xf32, #tpu.memory_space<vmem>>, %arg12: memref<128x128xf32, #tpu.memory_space<vmem>>, %arg13: memref<128x16xf32, #tpu.memory_space<vmem>>, %arg14: memref<2000x128xf32, #tpu.memory_space<vmem>>, %arg15: memref<2000x16xf32, #tpu.memory_space<vmem>>, %arg16: memref<2x128xf32, #tpu.memory_space<vmem>>) attributes {dimension_semantics = [#tpu.dimension_semantics<arbitrary>], iteration_bounds = array<i64: 100>, scalar_prefetch = 0 : i64, scratch_operands = 0 : i64, tpu.core_type = #tpu.core_type<tc>, window_params = [{transform_indices = @transform_0, window_bounds = array<i64: 2000, 128>}, {transform_indices = @transform_1, window_bounds = array<i64: 2000, 128>}, {pipeline_mode = #tpu.pipeline_mode<synchronous>, transform_indices = @transform_2, window_bounds = array<i64: 2, 128, 128>}, {pipeline_mode = #tpu.pipeline_mode<synchronous>, transform_indices = @transform_3, window_bounds = array<i64: 2, 128, 128>}, {pipeline_mode = #tpu.pipeline_mode<synchronous>, transform_indices = @transform_4, window_bounds = array<i64: 1, 2, 128>}, {pipeline_mode = #tpu.pipeline_mode<synchronous>, transform_indices = @transform_5, window_bounds = array<i64: 2, 2, 128>}, {pipeline_mode = #tpu.pipeline_mode<synchronous>, transform_indices = @transform_6, window_bounds = array<i64: 1, 2, 128>}, {pipeline_mode = #tpu.pipeline_mode<synchronous>, transform_indices = @transform_7, window_bounds = array<i64: 1, 2, 128>}, {pipeline_mode = #tpu.pipeline_mode<synchronous>, transform_indices = @transform_8, window_bounds = array<i64: 2, 128, 128>}, {pipeline_mode = #tpu.pipeline_mode<synchronous>, transform_indices = @transform_9, window_bounds = array<i64: 1, 128>}, {pipeline_mode = #tpu.pipeline_mode<synchronous>, transform_indices = @transform_10, window_bounds = array<i64: 128, 128>}, {pipeline_mode = #tpu.pipeline_mode<synchronous>, transform_indices = @transform_11, window_bounds = array<i64: 128, 128>}, {pipeline_mode = #tpu.pipeline_mode<synchronous>, transform_indices = @transform_12, window_bounds = array<i64: 128, 16>}, {transform_indices = @transform_13, window_bounds = array<i64: 2000, 128>}, {transform_indices = @transform_14, window_bounds = array<i64: 2000, 16>}, {pipeline_mode = #tpu.pipeline_mode<synchronous>, transform_indices = @transform_15, window_bounds = array<i64: 2, 128>}]} {
    %eq3A = arith.constant 0 : i32
    %eq3A_0 = arith.cmpi eq, %arg0, %eq3A : i32
    %convert_element_type3A = arith.extui %eq3A_0 : i1 to i32
    %cond3A = arith.constant 0 : i32
    %cond3A_1 = arith.cmpi ne, %convert_element_type3A, %cond3A : i32
    scf.if %cond3A_1 {
      %broadcast_in_dim3A_210 = arith.constant 0.000000e+00 : f32
      %broadcast_in_dim3A_211 = vector.broadcast %broadcast_in_dim3A_210 : f32 to vector<2x128xf32>
      %swap3A_212 = arith.constant 0 : index
      %swap3A_213 = arith.constant 0 : index
      %swap3A_214 = vector.load %arg16[%swap3A_212, %swap3A_213] : memref<2x128xf32, #tpu.memory_space<vmem>>, vector<2x128xf32>
      tpu.vector_store %arg16[%swap3A_212, %swap3A_213], %broadcast_in_dim3A_211 {strides = array<i32>} : memref<2x128xf32, #tpu.memory_space<vmem>>, vector<2x128xf32>,
    } else {
    }
    %get3A = arith.constant 0 : index
    %get3A_2 = arith.constant 0 : index
    %get3A_3 = vector.load %arg1[%get3A, %get3A_2] : memref<2000x128xf32, #tpu.memory_space<vmem>>, vector<2000x128xf32>
    %get3A_4 = arith.constant 0 : index
    %get3A_5 = arith.constant 0 : index
    %get3A_6 = vector.load %arg2[%get3A_4, %get3A_5] : memref<2000x128xf32, #tpu.memory_space<vmem>>, vector<2000x128xf32>
    %get3A_7 = arith.constant 0 : index
    %get3A_8 = arith.constant 0 : index
    %get3A_9 = vector.load %arg11[%get3A_7, %get3A_8] : memref<128x128xf32, #tpu.memory_space<vmem>>, vector<128x128xf32>
    %broadcast_in_dim3A = arith.constant 0.000000e+00 : f32
    %broadcast_in_dim3A_10 = vector.broadcast %broadcast_in_dim3A : f32 to vector<2000x128xf32>
    %get3A_11 = arith.constant 0 : index
    %get3A_12 = arith.constant 0 : index
    %get3A_13 = vector.load %arg10[%get3A_11, %get3A_12] : memref<1x128xf32, #tpu.memory_space<vmem>>, vector<1x128xf32>
    %add3A = vector.broadcast %get3A_13 : vector<1x128xf32> to vector<2000x128xf32>
    %add3A_14 = arith.addf %broadcast_in_dim3A_10, %add3A : vector<2000x128xf32>
    %get3A_15 = arith.constant 0 : index
    %get3A_16 = arith.constant 0 : index
    %get3A_17 = arith.constant 0 : index
    %get3A_18 = vector.load %arg3[%get3A_15, %get3A_16, %get3A_17] : memref<2x128x128xf32, #tpu.memory_space<vmem>>, vector<1x128x128xf32>
    %get3A_19 = vector.shape_cast %get3A_18 : vector<1x128x128xf32> to vector<128x128xf32>
    %dot_general3A = arith.constant dense<0.000000e+00> : vector<2000x128xf32>
    %dot_general3A_20 = tpu.matmul %get3A_3, %get3A_19, %dot_general3A {dimension_numbers = #tpu.dot_dimension_numbers<[1], [0], [0], [1], [0, 0, 1, 1], [], []>, transpose_lhs_hint = false} : vector<2000x128xf32>, vector<128x128xf32>, vector<2000x128xf32> -> vector<2000x128xf32>
    %get3A_21 = arith.constant 0 : index
    %get3A_22 = arith.constant 0 : index
    %get3A_23 = arith.constant 0 : index
    %get3A_24 = vector.load %arg4[%get3A_21, %get3A_22, %get3A_23] : memref<2x128x128xf32, #tpu.memory_space<vmem>>, vector<1x128x128xf32>
    %get3A_25 = vector.shape_cast %get3A_24 : vector<1x128x128xf32> to vector<128x128xf32>
    %dot_general3A_26 = arith.constant dense<0.000000e+00> : vector<2000x128xf32>
    %dot_general3A_27 = tpu.matmul %get3A_6, %get3A_25, %dot_general3A_26 {dimension_numbers = #tpu.dot_dimension_numbers<[1], [0], [0], [1], [0, 0, 1, 1], [], []>, transpose_lhs_hint = false} : vector<2000x128xf32>, vector<128x128xf32>, vector<2000x128xf32> -> vector<2000x128xf32>
    %add3A_28 = arith.addf %dot_general3A_20, %dot_general3A_27 : vector<2000x128xf32>
    %get3A_29 = arith.constant 0 : index
    %get3A_30 = arith.constant 0 : index
    %get3A_31 = arith.constant 0 : index
    %get3A_32 = vector.load %arg5[%get3A_29, %get3A_30, %get3A_31] : memref<1x2x128xf32, #tpu.memory_space<vmem>>, vector<1x1x128xf32>
    %get3A_33 = vector.shape_cast %get3A_32 : vector<1x1x128xf32> to vector<128xf32>
    %broadcast_in_dim3A_34 = vector.shape_cast %get3A_33 : vector<128xf32> to vector<1x128xf32>
    %add3A_35 = vector.broadcast %broadcast_in_dim3A_34 : vector<1x128xf32> to vector<2000x128xf32>
    %add3A_36 = arith.addf %add3A_28, %add3A_35 : vector<2000x128xf32>
    %get3A_37 = arith.constant 0 : index
    %get3A_38 = arith.constant 0 : index
    %get3A_39 = arith.constant 0 : index
    %get3A_40 = vector.load %arg6[%get3A_37, %get3A_38, %get3A_39] : memref<2x2x128xf32, #tpu.memory_space<vmem>>, vector<1x1x128xf32>
    %get3A_41 = vector.shape_cast %get3A_40 : vector<1x1x128xf32> to vector<1x128xf32>
    %dot_general3A_42 = arith.constant dense<0.000000e+00> : vector<1x128xf32>
    %dot_general3A_43 = tpu.matmul %get3A_41, %get3A_9, %dot_general3A_42 {dimension_numbers = #tpu.dot_dimension_numbers<[1], [0], [0], [1], [0, 0, 1, 1], [], []>, transpose_lhs_hint = false} : vector<1x128xf32>, vector<128x128xf32>, vector<1x128xf32> -> vector<1x128xf32>
    %mul3A = arith.constant 3.125000e-07 : f32
    %mul3A_44 = vector.broadcast %mul3A : f32 to vector<1x128xf32>
    %mul3A_45 = arith.mulf %dot_general3A_43, %mul3A_44 : vector<1x128xf32>
    %get3A_46 = arith.constant 0 : index
    %get3A_47 = arith.constant 1 : index
    %get3A_48 = arith.constant 0 : index
    %get3A_49 = vector.load %arg6[%get3A_46, %get3A_47, %get3A_48] : memref<2x2x128xf32, #tpu.memory_space<vmem>>, vector<1x1x128xf32>
    %get3A_50 = vector.shape_cast %get3A_49 : vector<1x1x128xf32> to vector<1x128xf32>
    %dot_general3A_51 = arith.constant dense<0.000000e+00> : vector<1x128xf32>
    %dot_general3A_52 = tpu.matmul %get3A_50, %get3A_9, %dot_general3A_51 {dimension_numbers = #tpu.dot_dimension_numbers<[1], [0], [0], [1], [0, 0, 1, 1], [], []>, transpose_lhs_hint = false} : vector<1x128xf32>, vector<128x128xf32>, vector<1x128xf32> -> vector<1x128xf32>
    %mul3A_53 = arith.constant 3.125000e-07 : f32
    %mul3A_54 = vector.broadcast %mul3A_53 : f32 to vector<1x128xf32>
    %mul3A_55 = arith.mulf %dot_general3A_52, %mul3A_54 : vector<1x128xf32>
    %mul3A_56 = arith.mulf %mul3A_45, %mul3A_45 : vector<1x128xf32>
    %sub3A = arith.subf %mul3A_55, %mul3A_56 : vector<1x128xf32>
    %get3A_57 = arith.constant 0 : index
    %get3A_58 = arith.constant 0 : index
    %get3A_59 = arith.constant 0 : index
    %get3A_60 = vector.load %arg7[%get3A_57, %get3A_58, %get3A_59] : memref<1x2x128xf32, #tpu.memory_space<vmem>>, vector<1x1x128xf32>
    %get3A_61 = vector.shape_cast %get3A_60 : vector<1x1x128xf32> to vector<128xf32>
    %add3A_62 = arith.constant 9.99999974E-6 : f32
    %add3A_63 = vector.broadcast %add3A_62 : f32 to vector<1x128xf32>
    %add3A_64 = arith.addf %sub3A, %add3A_63 : vector<1x128xf32>
    %rsqrt3A = math.rsqrt %add3A_64 : vector<1x128xf32>
    %broadcast_in_dim3A_65 = vector.shape_cast %get3A_61 : vector<128xf32> to vector<1x128xf32>
    %mul3A_66 = arith.mulf %broadcast_in_dim3A_65, %rsqrt3A : vector<1x128xf32>
    %mul3A_67 = vector.broadcast %mul3A_66 : vector<1x128xf32> to vector<2000x128xf32>
    %mul3A_68 = arith.mulf %add3A_36, %mul3A_67 : vector<2000x128xf32>
    %get3A_69 = arith.constant 0 : index
    %get3A_70 = arith.constant 0 : index
    %get3A_71 = arith.constant 0 : index
    %get3A_72 = vector.load %arg8[%get3A_69, %get3A_70, %get3A_71] : memref<1x2x128xf32, #tpu.memory_space<vmem>>, vector<1x1x128xf32>
    %get3A_73 = vector.shape_cast %get3A_72 : vector<1x1x128xf32> to vector<128xf32>
    %mul3A_74 = arith.mulf %mul3A_45, %mul3A_66 : vector<1x128xf32>
    %broadcast_in_dim3A_75 = vector.shape_cast %get3A_73 : vector<128xf32> to vector<1x128xf32>
    %sub3A_76 = arith.subf %broadcast_in_dim3A_75, %mul3A_74 : vector<1x128xf32>
    %add3A_77 = vector.broadcast %sub3A_76 : vector<1x128xf32> to vector<2000x128xf32>
    %add3A_78 = arith.addf %mul3A_68, %add3A_77 : vector<2000x128xf32>
    %tanh3A = math.tanh %add3A_78 : vector<2000x128xf32>
    %get3A_79 = arith.constant 0 : index
    %get3A_80 = arith.constant 0 : index
    %get3A_81 = arith.constant 0 : index
    %get3A_82 = vector.load %arg9[%get3A_79, %get3A_80, %get3A_81] : memref<2x128x128xf32, #tpu.memory_space<vmem>>, vector<1x128x128xf32>
    %get3A_83 = vector.shape_cast %get3A_82 : vector<1x128x128xf32> to vector<128x128xf32>
    %dot_general3A_84 = arith.constant dense<0.000000e+00> : vector<2000x128xf32>
    %dot_general3A_85 = tpu.matmul %tanh3A, %get3A_83, %dot_general3A_84 {dimension_numbers = #tpu.dot_dimension_numbers<[1], [0], [0], [1], [0, 0, 1, 1], [], []>, transpose_lhs_hint = false} : vector<2000x128xf32>, vector<128x128xf32>, vector<2000x128xf32> -> vector<2000x128xf32>
    %add3A_86 = arith.addf %add3A_14, %dot_general3A_85 : vector<2000x128xf32>
    %get3A_87 = arith.constant 1 : index
    %get3A_88 = arith.constant 0 : index
    %get3A_89 = arith.constant 0 : index
    %get3A_90 = vector.load %arg3[%get3A_87, %get3A_88, %get3A_89] : memref<2x128x128xf32, #tpu.memory_space<vmem>>, vector<1x128x128xf32>
    %get3A_91 = vector.shape_cast %get3A_90 : vector<1x128x128xf32> to vector<128x128xf32>
    %dot_general3A_92 = arith.constant dense<0.000000e+00> : vector<2000x128xf32>
    %dot_general3A_93 = tpu.matmul %get3A_3, %get3A_91, %dot_general3A_92 {dimension_numbers = #tpu.dot_dimension_numbers<[1], [0], [0], [1], [0, 0, 1, 1], [], []>, transpose_lhs_hint = false} : vector<2000x128xf32>, vector<128x128xf32>, vector<2000x128xf32> -> vector<2000x128xf32>
    %get3A_94 = arith.constant 1 : index
    %get3A_95 = arith.constant 0 : index
    %get3A_96 = arith.constant 0 : index
    %get3A_97 = vector.load %arg4[%get3A_94, %get3A_95, %get3A_96] : memref<2x128x128xf32, #tpu.memory_space<vmem>>, vector<1x128x128xf32>
    %get3A_98 = vector.shape_cast %get3A_97 : vector<1x128x128xf32> to vector<128x128xf32>
    %dot_general3A_99 = arith.constant dense<0.000000e+00> : vector<2000x128xf32>
    %dot_general3A_100 = tpu.matmul %get3A_6, %get3A_98, %dot_general3A_99 {dimension_numbers = #tpu.dot_dimension_numbers<[1], [0], [0], [1], [0, 0, 1, 1], [], []>, transpose_lhs_hint = false} : vector<2000x128xf32>, vector<128x128xf32>, vector<2000x128xf32> -> vector<2000x128xf32>
    %add3A_101 = arith.addf %dot_general3A_93, %dot_general3A_100 : vector<2000x128xf32>
    %get3A_102 = arith.constant 0 : index
    %get3A_103 = arith.constant 1 : index
    %get3A_104 = arith.constant 0 : index
    %get3A_105 = vector.load %arg5[%get3A_102, %get3A_103, %get3A_104] : memref<1x2x128xf32, #tpu.memory_space<vmem>>, vector<1x1x128xf32>
    %get3A_106 = vector.shape_cast %get3A_105 : vector<1x1x128xf32> to vector<128xf32>
    %broadcast_in_dim3A_107 = vector.shape_cast %get3A_106 : vector<128xf32> to vector<1x128xf32>
    %add3A_108 = vector.broadcast %broadcast_in_dim3A_107 : vector<1x128xf32> to vector<2000x128xf32>
    %add3A_109 = arith.addf %add3A_101, %add3A_108 : vector<2000x128xf32>
    %get3A_110 = arith.constant 1 : index
    %get3A_111 = arith.constant 0 : index
    %get3A_112 = arith.constant 0 : index
    %get3A_113 = vector.load %arg6[%get3A_110, %get3A_111, %get3A_112] : memref<2x2x128xf32, #tpu.memory_space<vmem>>, vector<1x1x128xf32>
    %get3A_114 = vector.shape_cast %get3A_113 : vector<1x1x128xf32> to vector<1x128xf32>
    %dot_general3A_115 = arith.constant dense<0.000000e+00> : vector<1x128xf32>
    %dot_general3A_116 = tpu.matmul %get3A_114, %get3A_9, %dot_general3A_115 {dimension_numbers = #tpu.dot_dimension_numbers<[1], [0], [0], [1], [0, 0, 1, 1], [], []>, transpose_lhs_hint = false} : vector<1x128xf32>, vector<128x128xf32>, vector<1x128xf32> -> vector<1x128xf32>
    %mul3A_117 = arith.constant 3.125000e-07 : f32
    %mul3A_118 = vector.broadcast %mul3A_117 : f32 to vector<1x128xf32>
    %mul3A_119 = arith.mulf %dot_general3A_116, %mul3A_118 : vector<1x128xf32>
    %get3A_120 = arith.constant 1 : index
    %get3A_121 = arith.constant 1 : index
    %get3A_122 = arith.constant 0 : index
    %get3A_123 = vector.load %arg6[%get3A_120, %get3A_121, %get3A_122] : memref<2x2x128xf32, #tpu.memory_space<vmem>>, vector<1x1x128xf32>
    %get3A_124 = vector.shape_cast %get3A_123 : vector<1x1x128xf32> to vector<1x128xf32>
    %dot_general3A_125 = arith.constant dense<0.000000e+00> : vector<1x128xf32>
    %dot_general3A_126 = tpu.matmul %get3A_124, %get3A_9, %dot_general3A_125 {dimension_numbers = #tpu.dot_dimension_numbers<[1], [0], [0], [1], [0, 0, 1, 1], [], []>, transpose_lhs_hint = false} : vector<1x128xf32>, vector<128x128xf32>, vector<1x128xf32> -> vector<1x128xf32>
    %mul3A_127 = arith.constant 3.125000e-07 : f32
    %mul3A_128 = vector.broadcast %mul3A_127 : f32 to vector<1x128xf32>
    %mul3A_129 = arith.mulf %dot_general3A_126, %mul3A_128 : vector<1x128xf32>
    %mul3A_130 = arith.mulf %mul3A_119, %mul3A_119 : vector<1x128xf32>
    %sub3A_131 = arith.subf %mul3A_129, %mul3A_130 : vector<1x128xf32>
    %get3A_132 = arith.constant 0 : index
    %get3A_133 = arith.constant 1 : index
    %get3A_134 = arith.constant 0 : index
    %get3A_135 = vector.load %arg7[%get3A_132, %get3A_133, %get3A_134] : memref<1x2x128xf32, #tpu.memory_space<vmem>>, vector<1x1x128xf32>
    %get3A_136 = vector.shape_cast %get3A_135 : vector<1x1x128xf32> to vector<128xf32>
    %add3A_137 = arith.constant 9.99999974E-6 : f32
    %add3A_138 = vector.broadcast %add3A_137 : f32 to vector<1x128xf32>
    %add3A_139 = arith.addf %sub3A_131, %add3A_138 : vector<1x128xf32>
    %rsqrt3A_140 = math.rsqrt %add3A_139 : vector<1x128xf32>
    %broadcast_in_dim3A_141 = vector.shape_cast %get3A_136 : vector<128xf32> to vector<1x128xf32>
    %mul3A_142 = arith.mulf %broadcast_in_dim3A_141, %rsqrt3A_140 : vector<1x128xf32>
    %mul3A_143 = vector.broadcast %mul3A_142 : vector<1x128xf32> to vector<2000x128xf32>
    %mul3A_144 = arith.mulf %add3A_109, %mul3A_143 : vector<2000x128xf32>
    %get3A_145 = arith.constant 0 : index
    %get3A_146 = arith.constant 1 : index
    %get3A_147 = arith.constant 0 : index
    %get3A_148 = vector.load %arg8[%get3A_145, %get3A_146, %get3A_147] : memref<1x2x128xf32, #tpu.memory_space<vmem>>, vector<1x1x128xf32>
    %get3A_149 = vector.shape_cast %get3A_148 : vector<1x1x128xf32> to vector<128xf32>
    %mul3A_150 = arith.mulf %mul3A_119, %mul3A_142 : vector<1x128xf32>
    %broadcast_in_dim3A_151 = vector.shape_cast %get3A_149 : vector<128xf32> to vector<1x128xf32>
    %sub3A_152 = arith.subf %broadcast_in_dim3A_151, %mul3A_150 : vector<1x128xf32>
    %add3A_153 = vector.broadcast %sub3A_152 : vector<1x128xf32> to vector<2000x128xf32>
    %add3A_154 = arith.addf %mul3A_144, %add3A_153 : vector<2000x128xf32>
    %tanh3A_155 = math.tanh %add3A_154 : vector<2000x128xf32>
    %get3A_156 = arith.constant 1 : index
    %get3A_157 = arith.constant 0 : index
    %get3A_158 = arith.constant 0 : index
    %get3A_159 = vector.load %arg9[%get3A_156, %get3A_157, %get3A_158] : memref<2x128x128xf32, #tpu.memory_space<vmem>>, vector<1x128x128xf32>
    %get3A_160 = vector.shape_cast %get3A_159 : vector<1x128x128xf32> to vector<128x128xf32>
    %dot_general3A_161 = arith.constant dense<0.000000e+00> : vector<2000x128xf32>
    %dot_general3A_162 = tpu.matmul %tanh3A_155, %get3A_160, %dot_general3A_161 {dimension_numbers = #tpu.dot_dimension_numbers<[1], [0], [0], [1], [0, 0, 1, 1], [], []>, transpose_lhs_hint = false} : vector<2000x128xf32>, vector<128x128xf32>, vector<2000x128xf32> -> vector<2000x128xf32>
    %add3A_163 = arith.addf %add3A_86, %dot_general3A_162 : vector<2000x128xf32>
    %get3A_164 = arith.constant 0 : index
    %get3A_165 = arith.constant 0 : index
    %get3A_166 = vector.load %arg16[%get3A_164, %get3A_165] : memref<2x128xf32, #tpu.memory_space<vmem>>, vector<1x128xf32>
    %reduce_sum3A = arith.constant dense<0.000000e+00> : vector<128xf32>
    %reduce_sum3A_167 = vector.multi_reduction <add>, %add3A_163, %reduce_sum3A [0] : vector<2000x128xf32> to vector<128xf32>
    %broadcast_in_dim3A_168 = vector.shape_cast %reduce_sum3A_167 : vector<128xf32> to vector<1x128xf32>
    %add3A_169 = arith.addf %get3A_166, %broadcast_in_dim3A_168 : vector<1x128xf32>
    %swap3A = arith.constant 0 : index
    %swap3A_170 = arith.constant 0 : index
    %swap3A_171 = vector.load %arg16[%swap3A, %swap3A_170] : memref<2x128xf32, #tpu.memory_space<vmem>>, vector<1x128xf32>
    tpu.vector_store %arg16[%swap3A, %swap3A_170], %add3A_169 {strides = array<i32>} : memref<2x128xf32, #tpu.memory_space<vmem>>, vector<1x128xf32>,
    %get3A_172 = arith.constant 1 : index
    %get3A_173 = arith.constant 0 : index
    %get3A_174 = vector.load %arg16[%get3A_172, %get3A_173] : memref<2x128xf32, #tpu.memory_space<vmem>>, vector<1x128xf32>
    %mul3A_175 = arith.mulf %add3A_163, %add3A_163 : vector<2000x128xf32>
    %reduce_sum3A_176 = arith.constant dense<0.000000e+00> : vector<128xf32>
    %reduce_sum3A_177 = vector.multi_reduction <add>, %mul3A_175, %reduce_sum3A_176 [0] : vector<2000x128xf32> to vector<128xf32>
    %broadcast_in_dim3A_178 = vector.shape_cast %reduce_sum3A_177 : vector<128xf32> to vector<1x128xf32>
    %add3A_179 = arith.addf %get3A_174, %broadcast_in_dim3A_178 : vector<1x128xf32>
    %swap3A_180 = arith.constant 1 : index
    %swap3A_181 = arith.constant 0 : index
    %swap3A_182 = vector.load %arg16[%swap3A_180, %swap3A_181] : memref<2x128xf32, #tpu.memory_space<vmem>>, vector<1x128xf32>
    tpu.vector_store %arg16[%swap3A_180, %swap3A_181], %add3A_179 {strides = array<i32>} : memref<2x128xf32, #tpu.memory_space<vmem>>, vector<1x128xf32>,
    %swap3A_183 = arith.constant 0 : index
    %swap3A_184 = arith.constant 0 : index
    %swap3A_185 = vector.load %arg14[%swap3A_183, %swap3A_184] : memref<2000x128xf32, #tpu.memory_space<vmem>>, vector<2000x128xf32>
    tpu.vector_store %arg14[%swap3A_183, %swap3A_184], %add3A_163 {strides = array<i32>} : memref<2000x128xf32, #tpu.memory_space<vmem>>, vector<2000x128xf32>,
    %eq3A_186 = arith.cmpf oeq, %get3A_3, %get3A_6 : vector<2000x128xf32>
    %jit3A = arith.constant 1.000000e+00 : f32
    %jit3A_187 = arith.constant 0.000000e+00 : f32
    %broadcast_in_dim3A_188 = vector.broadcast %jit3A : f32 to vector<2000x128xf32>
    %broadcast_in_dim3A_189 = vector.broadcast %jit3A_187 : f32 to vector<2000x128xf32>
    %select_n3A = arith.select %eq3A_186, %broadcast_in_dim3A_188, %broadcast_in_dim3A_189 : vector<2000x128xi1>, vector<2000x128xf32>
    %get3A_190 = arith.constant 0 : index
    %get3A_191 = arith.constant 0 : index
    %get3A_192 = vector.load %arg12[%get3A_190, %get3A_191] : memref<128x128xf32, #tpu.memory_space<vmem>>, vector<128x128xf32>
    %dot_general3A_193 = arith.constant dense<0.000000e+00> : vector<2000x128xf32>
    %dot_general3A_194 = tpu.matmul %select_n3A, %get3A_192, %dot_general3A_193 {dimension_numbers = #tpu.dot_dimension_numbers<[1], [0], [0], [1], [0, 0, 1, 1], [], []>, transpose_lhs_hint = false} : vector<2000x128xf32>, vector<128x128xf32>, vector<2000x128xf32> -> vector<2000x128xf32>
    %gt3A = arith.constant 7.500000e+00 : f32
    %gt3A_195 = vector.broadcast %gt3A : f32 to vector<2000x128xf32>
    %gt3A_196 = arith.cmpf ogt, %dot_general3A_194, %gt3A_195 : vector<2000x128xf32>
    %jit3A_197 = arith.constant 0.000000e+00 : f32
    %jit3A_198 = arith.constant 1.000000e+00 : f32
    %broadcast_in_dim3A_199 = vector.broadcast %jit3A_197 : f32 to vector<2000x128xf32>
    %broadcast_in_dim3A_200 = vector.broadcast %jit3A_198 : f32 to vector<2000x128xf32>
    %select_n3A_201 = arith.select %gt3A_196, %broadcast_in_dim3A_199, %broadcast_in_dim3A_200 : vector<2000x128xi1>, vector<2000x128xf32>
    %get3A_202 = arith.constant 0 : index
    %get3A_203 = arith.constant 0 : index
    %get3A_204 = vector.load %arg13[%get3A_202, %get3A_203] : memref<128x16xf32, #tpu.memory_space<vmem>>, vector<128x16xf32>
    %dot_general3A_205 = arith.constant dense<0.000000e+00> : vector<2000x16xf32>
    %dot_general3A_206 = tpu.matmul %select_n3A_201, %get3A_204, %dot_general3A_205 {dimension_numbers = #tpu.dot_dimension_numbers<[1], [0], [0], [1], [0, 0, 1, 1], [], []>, transpose_lhs_hint = false} : vector<2000x128xf32>, vector<128x16xf32>, vector<2000x16xf32> -> vector<2000x16xf32>
    %swap3A_207 = arith.constant 0 : index
    %swap3A_208 = arith.constant 0 : index
    %swap3A_209 = vector.load %arg15[%swap3A_207, %swap3A_208] : memref<2000x16xf32, #tpu.memory_space<vmem>>, vector<2000x16xf32>
    tpu.vector_store %arg15[%swap3A_207, %swap3A_208], %dot_general3A_206 {strides = array<i32>} : memref<2000x16xf32, #tpu.memory_space<vmem>>, vector<2000x16xf32>,
    return
  }
  func.func @transform_0(%arg0: i32) -> (i32, i32) {
    %c0_i32 = arith.constant 0 : i32
    %c0_i32_0 = arith.constant 0 : i32
    return %arg0, %c0_i32 : i32, i32
  }
  func.func @transform_1(%arg0: i32) -> (i32, i32) {
    %c0_i32 = arith.constant 0 : i32
    %c0_i32_0 = arith.constant 0 : i32
    return %arg0, %c0_i32 : i32, i32
  }
  func.func @transform_2(%arg0: i32) -> (i32, i32, i32) {
    %c0_i32 = arith.constant 0 : i32
    %c0_i32_0 = arith.constant 0 : i32
    %c0_i32_1 = arith.constant 0 : i32
    %c0_i32_2 = arith.constant 0 : i32
    return %c0_i32, %c0_i32_0, %c0_i32_1 : i32, i32, i32
  }
  func.func @transform_3(%arg0: i32) -> (i32, i32, i32) {
    %c0_i32 = arith.constant 0 : i32
    %c0_i32_0 = arith.constant 0 : i32
    %c0_i32_1 = arith.constant 0 : i32
    %c0_i32_2 = arith.constant 0 : i32
    return %c0_i32, %c0_i32_0, %c0_i32_1 : i32, i32, i32
  }
  func.func @transform_4(%arg0: i32) -> (i32, i32, i32) {
    %c0_i32 = arith.constant 0 : i32
    %c0_i32_0 = arith.constant 0 : i32
    %c0_i32_1 = arith.constant 0 : i32
    %c0_i32_2 = arith.constant 0 : i32
    return %c0_i32, %c0_i32_0, %c0_i32_1 : i32, i32, i32
  }
  func.func @transform_5(%arg0: i32) -> (i32, i32, i32) {
    %c0_i32 = arith.constant 0 : i32
    %c0_i32_0 = arith.constant 0 : i32
    %c0_i32_1 = arith.constant 0 : i32
    %c0_i32_2 = arith.constant 0 : i32
    return %c0_i32, %c0_i32_0, %c0_i32_1 : i32, i32, i32
  }
  func.func @transform_6(%arg0: i32) -> (i32, i32, i32) {
    %c0_i32 = arith.constant 0 : i32
    %c0_i32_0 = arith.constant 0 : i32
    %c0_i32_1 = arith.constant 0 : i32
    %c0_i32_2 = arith.constant 0 : i32
    return %c0_i32, %c0_i32_0, %c0_i32_1 : i32, i32, i32
  }
  func.func @transform_7(%arg0: i32) -> (i32, i32, i32) {
    %c0_i32 = arith.constant 0 : i32
    %c0_i32_0 = arith.constant 0 : i32
    %c0_i32_1 = arith.constant 0 : i32
    %c0_i32_2 = arith.constant 0 : i32
    return %c0_i32, %c0_i32_0, %c0_i32_1 : i32, i32, i32
  }
  func.func @transform_8(%arg0: i32) -> (i32, i32, i32) {
    %c0_i32 = arith.constant 0 : i32
    %c0_i32_0 = arith.constant 0 : i32
    %c0_i32_1 = arith.constant 0 : i32
    %c0_i32_2 = arith.constant 0 : i32
    return %c0_i32, %c0_i32_0, %c0_i32_1 : i32, i32, i32
  }
  func.func @transform_9(%arg0: i32) -> (i32, i32) {
    %c0_i32 = arith.constant 0 : i32
    %c0_i32_0 = arith.constant 0 : i32
    %c0_i32_1 = arith.constant 0 : i32
    return %c0_i32, %c0_i32_0 : i32, i32
  }
  func.func @transform_10(%arg0: i32) -> (i32, i32) {
    %c0_i32 = arith.constant 0 : i32
    %c0_i32_0 = arith.constant 0 : i32
    %c0_i32_1 = arith.constant 0 : i32
    return %c0_i32, %c0_i32_0 : i32, i32
  }
  func.func @transform_11(%arg0: i32) -> (i32, i32) {
    %c0_i32 = arith.constant 0 : i32
    %c0_i32_0 = arith.constant 0 : i32
    %c0_i32_1 = arith.constant 0 : i32
    return %c0_i32, %c0_i32_0 : i32, i32
  }
  func.func @transform_12(%arg0: i32) -> (i32, i32) {
    %c0_i32 = arith.constant 0 : i32
    %c0_i32_0 = arith.constant 0 : i32
    %c0_i32_1 = arith.constant 0 : i32
    return %c0_i32, %c0_i32_0 : i32, i32
  }
  func.func @transform_13(%arg0: i32) -> (i32, i32) {
    %c0_i32 = arith.constant 0 : i32
    %c0_i32_0 = arith.constant 0 : i32
    return %arg0, %c0_i32 : i32, i32
  }
  func.func @transform_14(%arg0: i32) -> (i32, i32) {
    %c0_i32 = arith.constant 0 : i32
    %c0_i32_0 = arith.constant 0 : i32
    return %arg0, %c0_i32 : i32, i32
  }
  func.func @transform_15(%arg0: i32) -> (i32, i32) {
    %c0_i32 = arith.constant 0 : i32
    %c0_i32_0 = arith.constant 0 : i32
    %c0_i32_1 = arith.constant 0 : i32
    return %c0_i32, %c0_i32_0 : i32, i32
  }
}

module attributes {stable_mosaic.version = 14 : i64} {
  func.func @_k7_body(%arg0: memref<6250x128xf32, #tpu.memory_space<vmem>>, %arg1: memref<2x6250x128xf32, #tpu.memory_space<vmem>>, %arg2: memref<1x128xf32, #tpu.memory_space<vmem>>, %arg3: memref<1x128xf32, #tpu.memory_space<vmem>>, %arg4: memref<128x128xf32, #tpu.memory_space<vmem>>, %arg5: memref<128x128xf32, #tpu.memory_space<vmem>>, %arg6: memref<2x128x128xf32, #tpu.memory_space<vmem>>, %arg7: memref<1x2x128xf32, #tpu.memory_space<vmem>>, %arg8: memref<1x2x128xf32, #tpu.memory_space<vmem>>, %arg9: memref<1x2x128xf32, #tpu.memory_space<vmem>>, %arg10: memref<2x128x128xf32, #tpu.memory_space<vmem>>, %arg11: memref<1x128xf32, #tpu.memory_space<vmem>>, %arg12: memref<1x128xf32, #tpu.memory_space<vmem>>, %arg13: memref<1x128xf32, #tpu.memory_space<vmem>>, %arg14: memref<128x128xf32, #tpu.memory_space<vmem>>, %arg15: memref<1x128xf32, #tpu.memory_space<vmem>>, %arg16: memref<128x128xf32, #tpu.memory_space<vmem>>, %arg17: memref<6250x128xf32, #tpu.memory_space<vmem>>) attributes {dimension_semantics = [], scalar_prefetch = 0 : i64, scratch_operands = 0 : i64, tpu.core_type = #tpu.core_type<tc>} {
    %get3A = arith.constant 0 : index
    %get3A_0 = arith.constant 0 : index
    %get3A_1 = vector.load %arg16[%get3A, %get3A_0] : memref<128x128xf32, #tpu.memory_space<vmem>>, vector<128x128xf32>
    %get3A_2 = arith.constant 0 : index
    %get3A_3 = arith.constant 0 : index
    %get3A_4 = arith.constant 0 : index
    %get3A_5 = vector.load %arg1[%get3A_2, %get3A_3, %get3A_4] : memref<2x6250x128xf32, #tpu.memory_space<vmem>>, vector<1x6250x128xf32>
    %get3A_6 = vector.shape_cast %get3A_5 : vector<1x6250x128xf32> to vector<6250x128xf32>
    %get3A_7 = arith.constant 1 : index
    %get3A_8 = arith.constant 0 : index
    %get3A_9 = arith.constant 0 : index
    %get3A_10 = vector.load %arg1[%get3A_7, %get3A_8, %get3A_9] : memref<2x6250x128xf32, #tpu.memory_space<vmem>>, vector<1x6250x128xf32>
    %get3A_11 = vector.shape_cast %get3A_10 : vector<1x6250x128xf32> to vector<6250x128xf32>
    %add3A = arith.addf %get3A_6, %get3A_11 : vector<6250x128xf32>
    %get3A_12 = arith.constant 0 : index
    %get3A_13 = arith.constant 0 : index
    %get3A_14 = vector.load %arg4[%get3A_12, %get3A_13] : memref<128x128xf32, #tpu.memory_space<vmem>>, vector<128x128xf32>
    %dot_general3A = arith.constant dense<0.000000e+00> : vector<6250x128xf32>
    %dot_general3A_15 = tpu.matmul %add3A, %get3A_14, %dot_general3A {dimension_numbers = #tpu.dot_dimension_numbers<[1], [0], [0], [1], [0, 0, 1, 1], [], []>, transpose_lhs_hint = false} : vector<6250x128xf32>, vector<128x128xf32>, vector<6250x128xf32> -> vector<6250x128xf32>
    %max3A = arith.constant 1.000000e+00 : f32
    %max3A_16 = vector.broadcast %max3A : f32 to vector<6250x128xf32>
    %max3A_17 = arith.maximumf %dot_general3A_15, %max3A_16 : vector<6250x128xf32>
    %div3A = arith.constant 1.000000e+00 : f32
    %div3A_18 = vector.broadcast %div3A : f32 to vector<6250x128xf32>
    %div3A_19 = arith.divf %div3A_18, %max3A_17 : vector<6250x128xf32>
    %get3A_20 = arith.constant 0 : index
    %get3A_21 = arith.constant 0 : index
    %get3A_22 = vector.load %arg2[%get3A_20, %get3A_21] : memref<1x128xf32, #tpu.memory_space<vmem>>, vector<1x128xf32>
    %get3A_23 = arith.constant 0 : index
    %get3A_24 = arith.constant 0 : index
    %get3A_25 = vector.load %arg3[%get3A_23, %get3A_24] : memref<1x128xf32, #tpu.memory_space<vmem>>, vector<1x128xf32>
    %sub3A = arith.constant 1.000000e+00 : f32
    %sub3A_26 = vector.broadcast %sub3A : f32 to vector<6250x128xf32>
    %sub3A_27 = arith.subf %div3A_19, %sub3A_26 : vector<6250x128xf32>
    %mul3A = vector.broadcast %get3A_25 : vector<1x128xf32> to vector<6250x128xf32>
    %mul3A_28 = arith.mulf %mul3A, %sub3A_27 : vector<6250x128xf32>
    %add3A_29 = vector.broadcast %get3A_22 : vector<1x128xf32> to vector<6250x128xf32>
    %add3A_30 = arith.addf %add3A_29, %mul3A_28 : vector<6250x128xf32>
    %mul3A_31 = arith.mulf %add3A, %add3A_30 : vector<6250x128xf32>
    %get3A_32 = arith.constant 0 : index
    %get3A_33 = arith.constant 0 : index
    %get3A_34 = vector.load %arg0[%get3A_32, %get3A_33] : memref<6250x128xf32, #tpu.memory_space<vmem>>, vector<6250x128xf32>
    %get3A_35 = arith.constant 0 : index
    %get3A_36 = arith.constant 0 : index
    %get3A_37 = vector.load %arg2[%get3A_35, %get3A_36] : memref<1x128xf32, #tpu.memory_space<vmem>>, vector<1x128xf32>
    %mul3A_38 = vector.broadcast %get3A_37 : vector<1x128xf32> to vector<6250x128xf32>
    %mul3A_39 = arith.mulf %get3A_34, %mul3A_38 : vector<6250x128xf32>
    %get3A_40 = arith.constant 0 : index
    %get3A_41 = arith.constant 0 : index
    %get3A_42 = vector.load %arg5[%get3A_40, %get3A_41] : memref<128x128xf32, #tpu.memory_space<vmem>>, vector<128x128xf32>
    %dot_general3A_43 = arith.constant dense<0.000000e+00> : vector<6250x128xf32>
    %dot_general3A_44 = tpu.matmul %mul3A_31, %get3A_42, %dot_general3A_43 {dimension_numbers = #tpu.dot_dimension_numbers<[1], [0], [0], [1], [0, 0, 1, 1], [], []>, transpose_lhs_hint = false} : vector<6250x128xf32>, vector<128x128xf32>, vector<6250x128xf32> -> vector<6250x128xf32>
    %add3A_45 = arith.addf %mul3A_39, %dot_general3A_44 : vector<6250x128xf32>
    %broadcast_in_dim3A = arith.constant 0.000000e+00 : f32
    %broadcast_in_dim3A_46 = vector.broadcast %broadcast_in_dim3A : f32 to vector<6250x128xf32>
    %get3A_47 = arith.constant 0 : index
    %get3A_48 = arith.constant 0 : index
    %get3A_49 = vector.load %arg11[%get3A_47, %get3A_48] : memref<1x128xf32, #tpu.memory_space<vmem>>, vector<1x128xf32>
    %add3A_50 = vector.broadcast %get3A_49 : vector<1x128xf32> to vector<6250x128xf32>
    %add3A_51 = arith.addf %broadcast_in_dim3A_46, %add3A_50 : vector<6250x128xf32>
    %get3A_52 = arith.constant 0 : index
    %get3A_53 = arith.constant 0 : index
    %get3A_54 = arith.constant 0 : index
    %get3A_55 = vector.load %arg6[%get3A_52, %get3A_53, %get3A_54] : memref<2x128x128xf32, #tpu.memory_space<vmem>>, vector<1x128x128xf32>
    %get3A_56 = vector.shape_cast %get3A_55 : vector<1x128x128xf32> to vector<128x128xf32>
    %dot_general3A_57 = arith.constant dense<0.000000e+00> : vector<6250x128xf32>
    %dot_general3A_58 = tpu.matmul %add3A_45, %get3A_56, %dot_general3A_57 {dimension_numbers = #tpu.dot_dimension_numbers<[1], [0], [0], [1], [0, 0, 1, 1], [], []>, transpose_lhs_hint = false} : vector<6250x128xf32>, vector<128x128xf32>, vector<6250x128xf32> -> vector<6250x128xf32>
    %get3A_59 = arith.constant 0 : index
    %get3A_60 = arith.constant 0 : index
    %get3A_61 = arith.constant 0 : index
    %get3A_62 = vector.load %arg7[%get3A_59, %get3A_60, %get3A_61] : memref<1x2x128xf32, #tpu.memory_space<vmem>>, vector<1x1x128xf32>
    %get3A_63 = vector.shape_cast %get3A_62 : vector<1x1x128xf32> to vector<128xf32>
    %broadcast_in_dim3A_64 = vector.shape_cast %get3A_63 : vector<128xf32> to vector<1x128xf32>
    %add3A_65 = vector.broadcast %broadcast_in_dim3A_64 : vector<1x128xf32> to vector<6250x128xf32>
    %add3A_66 = arith.addf %dot_general3A_58, %add3A_65 : vector<6250x128xf32>
    %reduce_sum3A = arith.constant dense<0.000000e+00> : vector<128xf32>
    %reduce_sum3A_67 = vector.multi_reduction <add>, %add3A_66, %reduce_sum3A [0] : vector<6250x128xf32> to vector<128xf32>
    %broadcast_in_dim3A_68 = vector.shape_cast %reduce_sum3A_67 : vector<128xf32> to vector<1x128xf32>
    %dot_general3A_69 = arith.constant dense<0.000000e+00> : vector<1x128xf32>
    %dot_general3A_70 = tpu.matmul %broadcast_in_dim3A_68, %get3A_1, %dot_general3A_69 {dimension_numbers = #tpu.dot_dimension_numbers<[1], [0], [0], [1], [0, 0, 1, 1], [], []>, transpose_lhs_hint = false} : vector<1x128xf32>, vector<128x128xf32>, vector<1x128xf32> -> vector<1x128xf32>
    %mul3A_71 = arith.constant 9.99999974E-6 : f32
    %mul3A_72 = vector.broadcast %mul3A_71 : f32 to vector<1x128xf32>
    %mul3A_73 = arith.mulf %dot_general3A_70, %mul3A_72 : vector<1x128xf32>
    %mul3A_74 = arith.mulf %add3A_66, %add3A_66 : vector<6250x128xf32>
    %reduce_sum3A_75 = arith.constant dense<0.000000e+00> : vector<128xf32>
    %reduce_sum3A_76 = vector.multi_reduction <add>, %mul3A_74, %reduce_sum3A_75 [0] : vector<6250x128xf32> to vector<128xf32>
    %broadcast_in_dim3A_77 = vector.shape_cast %reduce_sum3A_76 : vector<128xf32> to vector<1x128xf32>
    %dot_general3A_78 = arith.constant dense<0.000000e+00> : vector<1x128xf32>
    %dot_general3A_79 = tpu.matmul %broadcast_in_dim3A_77, %get3A_1, %dot_general3A_78 {dimension_numbers = #tpu.dot_dimension_numbers<[1], [0], [0], [1], [0, 0, 1, 1], [], []>, transpose_lhs_hint = false} : vector<1x128xf32>, vector<128x128xf32>, vector<1x128xf32> -> vector<1x128xf32>
    %mul3A_80 = arith.constant 9.99999974E-6 : f32
    %mul3A_81 = vector.broadcast %mul3A_80 : f32 to vector<1x128xf32>
    %mul3A_82 = arith.mulf %dot_general3A_79, %mul3A_81 : vector<1x128xf32>
    %mul3A_83 = arith.mulf %mul3A_73, %mul3A_73 : vector<1x128xf32>
    %sub3A_84 = arith.subf %mul3A_82, %mul3A_83 : vector<1x128xf32>
    %get3A_85 = arith.constant 0 : index
    %get3A_86 = arith.constant 0 : index
    %get3A_87 = arith.constant 0 : index
    %get3A_88 = vector.load %arg8[%get3A_85, %get3A_86, %get3A_87] : memref<1x2x128xf32, #tpu.memory_space<vmem>>, vector<1x1x128xf32>
    %get3A_89 = vector.shape_cast %get3A_88 : vector<1x1x128xf32> to vector<128xf32>
    %add3A_90 = arith.constant 9.99999974E-6 : f32
    %add3A_91 = vector.broadcast %add3A_90 : f32 to vector<1x128xf32>
    %add3A_92 = arith.addf %sub3A_84, %add3A_91 : vector<1x128xf32>
    %rsqrt3A = math.rsqrt %add3A_92 : vector<1x128xf32>
    %broadcast_in_dim3A_93 = vector.shape_cast %get3A_89 : vector<128xf32> to vector<1x128xf32>
    %mul3A_94 = arith.mulf %broadcast_in_dim3A_93, %rsqrt3A : vector<1x128xf32>
    %mul3A_95 = vector.broadcast %mul3A_94 : vector<1x128xf32> to vector<6250x128xf32>
    %mul3A_96 = arith.mulf %add3A_66, %mul3A_95 : vector<6250x128xf32>
    %get3A_97 = arith.constant 0 : index
    %get3A_98 = arith.constant 0 : index
    %get3A_99 = arith.constant 0 : index
    %get3A_100 = vector.load %arg9[%get3A_97, %get3A_98, %get3A_99] : memref<1x2x128xf32, #tpu.memory_space<vmem>>, vector<1x1x128xf32>
    %get3A_101 = vector.shape_cast %get3A_100 : vector<1x1x128xf32> to vector<128xf32>
    %mul3A_102 = arith.mulf %mul3A_73, %mul3A_94 : vector<1x128xf32>
    %broadcast_in_dim3A_103 = vector.shape_cast %get3A_101 : vector<128xf32> to vector<1x128xf32>
    %sub3A_104 = arith.subf %broadcast_in_dim3A_103, %mul3A_102 : vector<1x128xf32>
    %add3A_105 = vector.broadcast %sub3A_104 : vector<1x128xf32> to vector<6250x128xf32>
    %add3A_106 = arith.addf %mul3A_96, %add3A_105 : vector<6250x128xf32>
    %tanh3A = math.tanh %add3A_106 : vector<6250x128xf32>
    %get3A_107 = arith.constant 0 : index
    %get3A_108 = arith.constant 0 : index
    %get3A_109 = arith.constant 0 : index
    %get3A_110 = vector.load %arg10[%get3A_107, %get3A_108, %get3A_109] : memref<2x128x128xf32, #tpu.memory_space<vmem>>, vector<1x128x128xf32>
    %get3A_111 = vector.shape_cast %get3A_110 : vector<1x128x128xf32> to vector<128x128xf32>
    %dot_general3A_112 = arith.constant dense<0.000000e+00> : vector<6250x128xf32>
    %dot_general3A_113 = tpu.matmul %tanh3A, %get3A_111, %dot_general3A_112 {dimension_numbers = #tpu.dot_dimension_numbers<[1], [0], [0], [1], [0, 0, 1, 1], [], []>, transpose_lhs_hint = false} : vector<6250x128xf32>, vector<128x128xf32>, vector<6250x128xf32> -> vector<6250x128xf32>
    %add3A_114 = arith.addf %add3A_51, %dot_general3A_113 : vector<6250x128xf32>
    %get3A_115 = arith.constant 1 : index
    %get3A_116 = arith.constant 0 : index
    %get3A_117 = arith.constant 0 : index
    %get3A_118 = vector.load %arg6[%get3A_115, %get3A_116, %get3A_117] : memref<2x128x128xf32, #tpu.memory_space<vmem>>, vector<1x128x128xf32>
    %get3A_119 = vector.shape_cast %get3A_118 : vector<1x128x128xf32> to vector<128x128xf32>
    %dot_general3A_120 = arith.constant dense<0.000000e+00> : vector<6250x128xf32>
    %dot_general3A_121 = tpu.matmul %add3A_45, %get3A_119, %dot_general3A_120 {dimension_numbers = #tpu.dot_dimension_numbers<[1], [0], [0], [1], [0, 0, 1, 1], [], []>, transpose_lhs_hint = false} : vector<6250x128xf32>, vector<128x128xf32>, vector<6250x128xf32> -> vector<6250x128xf32>
    %get3A_122 = arith.constant 0 : index
    %get3A_123 = arith.constant 1 : index
    %get3A_124 = arith.constant 0 : index
    %get3A_125 = vector.load %arg7[%get3A_122, %get3A_123, %get3A_124] : memref<1x2x128xf32, #tpu.memory_space<vmem>>, vector<1x1x128xf32>
    %get3A_126 = vector.shape_cast %get3A_125 : vector<1x1x128xf32> to vector<128xf32>
    %broadcast_in_dim3A_127 = vector.shape_cast %get3A_126 : vector<128xf32> to vector<1x128xf32>
    %add3A_128 = vector.broadcast %broadcast_in_dim3A_127 : vector<1x128xf32> to vector<6250x128xf32>
    %add3A_129 = arith.addf %dot_general3A_121, %add3A_128 : vector<6250x128xf32>
    %reduce_sum3A_130 = arith.constant dense<0.000000e+00> : vector<128xf32>
    %reduce_sum3A_131 = vector.multi_reduction <add>, %add3A_129, %reduce_sum3A_130 [0] : vector<6250x128xf32> to vector<128xf32>
    %broadcast_in_dim3A_132 = vector.shape_cast %reduce_sum3A_131 : vector<128xf32> to vector<1x128xf32>
    %dot_general3A_133 = arith.constant dense<0.000000e+00> : vector<1x128xf32>
    %dot_general3A_134 = tpu.matmul %broadcast_in_dim3A_132, %get3A_1, %dot_general3A_133 {dimension_numbers = #tpu.dot_dimension_numbers<[1], [0], [0], [1], [0, 0, 1, 1], [], []>, transpose_lhs_hint = false} : vector<1x128xf32>, vector<128x128xf32>, vector<1x128xf32> -> vector<1x128xf32>
    %mul3A_135 = arith.constant 9.99999974E-6 : f32
    %mul3A_136 = vector.broadcast %mul3A_135 : f32 to vector<1x128xf32>
    %mul3A_137 = arith.mulf %dot_general3A_134, %mul3A_136 : vector<1x128xf32>
    %mul3A_138 = arith.mulf %add3A_129, %add3A_129 : vector<6250x128xf32>
    %reduce_sum3A_139 = arith.constant dense<0.000000e+00> : vector<128xf32>
    %reduce_sum3A_140 = vector.multi_reduction <add>, %mul3A_138, %reduce_sum3A_139 [0] : vector<6250x128xf32> to vector<128xf32>
    %broadcast_in_dim3A_141 = vector.shape_cast %reduce_sum3A_140 : vector<128xf32> to vector<1x128xf32>
    %dot_general3A_142 = arith.constant dense<0.000000e+00> : vector<1x128xf32>
    %dot_general3A_143 = tpu.matmul %broadcast_in_dim3A_141, %get3A_1, %dot_general3A_142 {dimension_numbers = #tpu.dot_dimension_numbers<[1], [0], [0], [1], [0, 0, 1, 1], [], []>, transpose_lhs_hint = false} : vector<1x128xf32>, vector<128x128xf32>, vector<1x128xf32> -> vector<1x128xf32>
    %mul3A_144 = arith.constant 9.99999974E-6 : f32
    %mul3A_145 = vector.broadcast %mul3A_144 : f32 to vector<1x128xf32>
    %mul3A_146 = arith.mulf %dot_general3A_143, %mul3A_145 : vector<1x128xf32>
    %mul3A_147 = arith.mulf %mul3A_137, %mul3A_137 : vector<1x128xf32>
    %sub3A_148 = arith.subf %mul3A_146, %mul3A_147 : vector<1x128xf32>
    %get3A_149 = arith.constant 0 : index
    %get3A_150 = arith.constant 1 : index
    %get3A_151 = arith.constant 0 : index
    %get3A_152 = vector.load %arg8[%get3A_149, %get3A_150, %get3A_151] : memref<1x2x128xf32, #tpu.memory_space<vmem>>, vector<1x1x128xf32>
    %get3A_153 = vector.shape_cast %get3A_152 : vector<1x1x128xf32> to vector<128xf32>
    %add3A_154 = arith.constant 9.99999974E-6 : f32
    %add3A_155 = vector.broadcast %add3A_154 : f32 to vector<1x128xf32>
    %add3A_156 = arith.addf %sub3A_148, %add3A_155 : vector<1x128xf32>
    %rsqrt3A_157 = math.rsqrt %add3A_156 : vector<1x128xf32>
    %broadcast_in_dim3A_158 = vector.shape_cast %get3A_153 : vector<128xf32> to vector<1x128xf32>
    %mul3A_159 = arith.mulf %broadcast_in_dim3A_158, %rsqrt3A_157 : vector<1x128xf32>
    %mul3A_160 = vector.broadcast %mul3A_159 : vector<1x128xf32> to vector<6250x128xf32>
    %mul3A_161 = arith.mulf %add3A_129, %mul3A_160 : vector<6250x128xf32>
    %get3A_162 = arith.constant 0 : index
    %get3A_163 = arith.constant 1 : index
    %get3A_164 = arith.constant 0 : index
    %get3A_165 = vector.load %arg9[%get3A_162, %get3A_163, %get3A_164] : memref<1x2x128xf32, #tpu.memory_space<vmem>>, vector<1x1x128xf32>
    %get3A_166 = vector.shape_cast %get3A_165 : vector<1x1x128xf32> to vector<128xf32>
    %mul3A_167 = arith.mulf %mul3A_137, %mul3A_159 : vector<1x128xf32>
    %broadcast_in_dim3A_168 = vector.shape_cast %get3A_166 : vector<128xf32> to vector<1x128xf32>
    %sub3A_169 = arith.subf %broadcast_in_dim3A_168, %mul3A_167 : vector<1x128xf32>
    %add3A_170 = vector.broadcast %sub3A_169 : vector<1x128xf32> to vector<6250x128xf32>
    %add3A_171 = arith.addf %mul3A_161, %add3A_170 : vector<6250x128xf32>
    %tanh3A_172 = math.tanh %add3A_171 : vector<6250x128xf32>
    %get3A_173 = arith.constant 1 : index
    %get3A_174 = arith.constant 0 : index
    %get3A_175 = arith.constant 0 : index
    %get3A_176 = vector.load %arg10[%get3A_173, %get3A_174, %get3A_175] : memref<2x128x128xf32, #tpu.memory_space<vmem>>, vector<1x128x128xf32>
    %get3A_177 = vector.shape_cast %get3A_176 : vector<1x128x128xf32> to vector<128x128xf32>
    %dot_general3A_178 = arith.constant dense<0.000000e+00> : vector<6250x128xf32>
    %dot_general3A_179 = tpu.matmul %tanh3A_172, %get3A_177, %dot_general3A_178 {dimension_numbers = #tpu.dot_dimension_numbers<[1], [0], [0], [1], [0, 0, 1, 1], [], []>, transpose_lhs_hint = false} : vector<6250x128xf32>, vector<128x128xf32>, vector<6250x128xf32> -> vector<6250x128xf32>
    %add3A_180 = arith.addf %add3A_114, %dot_general3A_179 : vector<6250x128xf32>
    %reduce_sum3A_181 = arith.constant dense<0.000000e+00> : vector<128xf32>
    %reduce_sum3A_182 = vector.multi_reduction <add>, %add3A_180, %reduce_sum3A_181 [0] : vector<6250x128xf32> to vector<128xf32>
    %broadcast_in_dim3A_183 = vector.shape_cast %reduce_sum3A_182 : vector<128xf32> to vector<1x128xf32>
    %dot_general3A_184 = arith.constant dense<0.000000e+00> : vector<1x128xf32>
    %dot_general3A_185 = tpu.matmul %broadcast_in_dim3A_183, %get3A_1, %dot_general3A_184 {dimension_numbers = #tpu.dot_dimension_numbers<[1], [0], [0], [1], [0, 0, 1, 1], [], []>, transpose_lhs_hint = false} : vector<1x128xf32>, vector<128x128xf32>, vector<1x128xf32> -> vector<1x128xf32>
    %mul3A_186 = arith.constant 9.99999974E-6 : f32
    %mul3A_187 = vector.broadcast %mul3A_186 : f32 to vector<1x128xf32>
    %mul3A_188 = arith.mulf %dot_general3A_185, %mul3A_187 : vector<1x128xf32>
    %mul3A_189 = arith.mulf %add3A_180, %add3A_180 : vector<6250x128xf32>
    %reduce_sum3A_190 = arith.constant dense<0.000000e+00> : vector<128xf32>
    %reduce_sum3A_191 = vector.multi_reduction <add>, %mul3A_189, %reduce_sum3A_190 [0] : vector<6250x128xf32> to vector<128xf32>
    %broadcast_in_dim3A_192 = vector.shape_cast %reduce_sum3A_191 : vector<128xf32> to vector<1x128xf32>
    %dot_general3A_193 = arith.constant dense<0.000000e+00> : vector<1x128xf32>
    %dot_general3A_194 = tpu.matmul %broadcast_in_dim3A_192, %get3A_1, %dot_general3A_193 {dimension_numbers = #tpu.dot_dimension_numbers<[1], [0], [0], [1], [0, 0, 1, 1], [], []>, transpose_lhs_hint = false} : vector<1x128xf32>, vector<128x128xf32>, vector<1x128xf32> -> vector<1x128xf32>
    %mul3A_195 = arith.constant 9.99999974E-6 : f32
    %mul3A_196 = vector.broadcast %mul3A_195 : f32 to vector<1x128xf32>
    %mul3A_197 = arith.mulf %dot_general3A_194, %mul3A_196 : vector<1x128xf32>
    %mul3A_198 = arith.mulf %mul3A_188, %mul3A_188 : vector<1x128xf32>
    %sub3A_199 = arith.subf %mul3A_197, %mul3A_198 : vector<1x128xf32>
    %get3A_200 = arith.constant 0 : index
    %get3A_201 = arith.constant 0 : index
    %get3A_202 = vector.load %arg12[%get3A_200, %get3A_201] : memref<1x128xf32, #tpu.memory_space<vmem>>, vector<1x128xf32>
    %add3A_203 = arith.constant 9.99999974E-6 : f32
    %add3A_204 = vector.broadcast %add3A_203 : f32 to vector<1x128xf32>
    %add3A_205 = arith.addf %sub3A_199, %add3A_204 : vector<1x128xf32>
    %rsqrt3A_206 = math.rsqrt %add3A_205 : vector<1x128xf32>
    %mul3A_207 = arith.mulf %get3A_202, %rsqrt3A_206 : vector<1x128xf32>
    %mul3A_208 = vector.broadcast %mul3A_207 : vector<1x128xf32> to vector<6250x128xf32>
    %mul3A_209 = arith.mulf %add3A_180, %mul3A_208 : vector<6250x128xf32>
    %get3A_210 = arith.constant 0 : index
    %get3A_211 = arith.constant 0 : index
    %get3A_212 = vector.load %arg13[%get3A_210, %get3A_211] : memref<1x128xf32, #tpu.memory_space<vmem>>, vector<1x128xf32>
    %mul3A_213 = arith.mulf %mul3A_188, %mul3A_207 : vector<1x128xf32>
    %sub3A_214 = arith.subf %get3A_212, %mul3A_213 : vector<1x128xf32>
    %add3A_215 = vector.broadcast %sub3A_214 : vector<1x128xf32> to vector<6250x128xf32>
    %add3A_216 = arith.addf %mul3A_209, %add3A_215 : vector<6250x128xf32>
    %tanh3A_217 = math.tanh %add3A_216 : vector<6250x128xf32>
    %get3A_218 = arith.constant 0 : index
    %get3A_219 = arith.constant 0 : index
    %get3A_220 = vector.load %arg14[%get3A_218, %get3A_219] : memref<128x128xf32, #tpu.memory_space<vmem>>, vector<128x128xf32>
    %dot_general3A_221 = arith.constant dense<0.000000e+00> : vector<6250x128xf32>
    %dot_general3A_222 = tpu.matmul %tanh3A_217, %get3A_220, %dot_general3A_221 {dimension_numbers = #tpu.dot_dimension_numbers<[1], [0], [0], [1], [0, 0, 1, 1], [], []>, transpose_lhs_hint = false} : vector<6250x128xf32>, vector<128x128xf32>, vector<6250x128xf32> -> vector<6250x128xf32>
    %get3A_223 = arith.constant 0 : index
    %get3A_224 = arith.constant 0 : index
    %get3A_225 = vector.load %arg15[%get3A_223, %get3A_224] : memref<1x128xf32, #tpu.memory_space<vmem>>, vector<1x128xf32>
    %add3A_226 = vector.broadcast %get3A_225 : vector<1x128xf32> to vector<6250x128xf32>
    %add3A_227 = arith.addf %dot_general3A_222, %add3A_226 : vector<6250x128xf32>
    %swap3A = arith.constant 0 : index
    %swap3A_228 = arith.constant 0 : index
    %swap3A_229 = vector.load %arg17[%swap3A, %swap3A_228] : memref<6250x128xf32, #tpu.memory_space<vmem>>, vector<6250x128xf32>
    tpu.vector_store %arg17[%swap3A, %swap3A_228], %add3A_227 {strides = array<i32>} : memref<6250x128xf32, #tpu.memory_space<vmem>>, vector<6250x128xf32>,
    return
  }
}

</mosaic_0001>

<sc_bundles>
// kernel: kernel.12.cloned.1.call-start
scs
__scs_entry_jumppad:
0x0: {  	(pc) =	sbr.rel $0x88, $3  }
0x1: {  	(tag) =	ssettag $0x0;
	lr =	simm.s32 $0x1  }
0x2: {  	[smem:$0x3F8A] =	sst lr;
	_ =	strace $0xD0000000  }
0x3: {  	_ = 	snop  }
0x4: {  	_ = 	snop  }
0x5: {  	_ = 	snop  }
0x6: {  	_ = 	snop  }
0x7: {  	_ = 	snop  }
__scs_overlays_trampoline_lowered:
0x8: {  	[smem:$0x3F99] =	sst s0  }
0x9: {  	[smem:$0x3F9A] =	sst s1  }
0xa: {  	[smem:$0x3F9B] =	sst s2  }
0xb: {  	[smem:$0x3F9C] =	sst s3  }
0xc: {  	[smem:$0x3F9D] =	sst s4  }
0xd: {  	[smem:$0x3F9E] =	sst s5  }
0xe: {  	[smem:$0x3F9F] =	sst s6  }
0xf: {  	[smem:$0x3FA0] =	sst s7  }
0x10: {  	[smem:$0x3FA1] =	sst s8  }
0x11: {  	[smem:$0x3FA2] =	sst s9;
	s0 =	simm.s32 @!p0 $0x0  }
0x12: {  	s1 =	sld [smem:$0x3F88];
	s0 =	simm.s32 @p0 $0x1  }
0x13: {  	[smem:$0x3FA3] =	sst s0;
	s0 =	simm.s32 @!p1 $0x0  }
0x14: {  	s2 =	sld [smem:$0x3F87];
	s0 =	simm.s32 @p1 $0x1  }
0x15: {  	[smem:$0x3FA4] =	sst s0;
	s0 =	simm.s32 @!p2 $0x0  }
0x16: {  	s3 =	sld [smem:$0x3FDB];
	s0 =	simm.s32 @p2 $0x1  }
0x17: {  	s4 =	simm.s32 $0x1BF5;
	[smem:$0x3FA6] =	sst s0  }
0x18: {  	s0 =	sld [smem:$0x3F89];
	_ =	swait.ge [sflag:s4], $0x0  }
0x19: {  	s7 =	sld [smem:$0x3F8A]  }
0x1a: {  	s8 =	sadd.s32 $0xFFFFE003, lr  }
0x1b: {  	s9 =	sadd.s32 $0xFFFFFEF7, lr;
	s5 =	simm.s32 $0xFFFFFFFF;
	p2 =	slt.u32 s8, $0xFFFFF086  }
0x1c: {  	p1 =	slt.u32 s9, $0xF7A;
	s5 =	simm.s32 @!p2 $0x0  }
0x1d: {  	s5 =	simm.s32 @p1 $0x1;
	p0 =	seq.s32 s7, s2  }
0x1e: {  	s7 =	smul.u32 @!p0 $0xF7A, s2;
	p2 =	seq.s32 @!p0 s5, $0x0  }
0x1f: {  	s9 =	smul.u32 $0xF7A, s1;
	s8 =	simm.s32 @!p0 $0x1BF5;
	p2 =	por !p2, p0  }
0x20: {  	[sflag:s8] =	ssyncset.s32 @!p0 $0xFFFFF086;
	s6 =	sadd.s32 @!p0 s3, s7;
	s7 =	simm.s32 @!p0 $0x108  }
0x21: {  	s3 =	sadd.s32 s3, s9;
	s6 =	sadd.s32 @!p0 $0x88, s6;
	s7 =	simm.s32 @p2 $0x1082  }
0x22: {  	[simem:s7], [sflag:s8] =	dma.local @!p0 [hbm:s6], $0xF7A  }
0x23: {  	s9 =	sor.u32 $0xD0000000, s2;
	s6 =	simm.s32 $0x108;
	_ =	swait.ge @!p0 [sflag:s8], $0x0  }
0x24: {  	s3 =	sadd.s32 $0x88, s3;
	s6 =	simm.s32 @!p1 $0x1082;
	[sflag:s4] =	ssyncset.s32 $0xFFFFF086  }
0x25: {  	[simem:s6], [sflag:s4] =	dma.local [hbm:s3], $0xF7A  }
0x26: {  	[smem:$0x3F8A] =	sst s1;
	(tag) =	ssettag s2;
	_ =	strace s9  }
0x27: {  	s1 =	sld [smem:$0x3F9A]  }
0x28: {  	s2 =	sld [smem:$0x3F9B]  }
0x29: {  	s4 =	sld [smem:$0x3F9D]  }
0x2a: {  	p0 =	seq.s32 s5, $0x0;
	s5 =	sld [smem:$0x3F9E]  }
0x2b: {  	s6 =	sld [smem:$0x3F9F]  }
0x2c: {  	s7 =	sld [smem:$0x3FA0]  }
0x2d: {  	s3 =	simm.s32 $0x108;
	s8 =	sld [smem:$0x3FA1]  }
0x2e: {  	s3 =	simm.s32 @!p0 $0x1082;
	s9 =	sld [smem:$0x3FA2]  }
0x2f: {  	lr =	sadd.s32 s0, s3;
	s0 =	sld [smem:$0x3F99]  }
0x30: {  	s3 =	sld [smem:$0x3F9C]  }
0x31: {  	[smem:$0x3FA5] =	sst s10  }
0x32: {  	s10 =	sld [smem:$0x3FA3];
	_ =	sdelay $0x3  }
0x33: {  	p0 =	seq.s32 s10, $0x1;
	s10 =	sld [smem:$0x3FA5];
	_ =	sdelay $0x3  }
0x34: {  	[smem:$0x3FA5] =	sst s10  }
0x35: {  	s10 =	sld [smem:$0x3FA4];
	_ =	sdelay $0x3  }
0x36: {  	p1 =	seq.s32 s10, $0x1;
	s10 =	sld [smem:$0x3FA5];
	_ =	sdelay $0x3  }
0x37: {  	[smem:$0x3FA5] =	sst s10  }
0x38: {  	s10 =	sld [smem:$0x3FA6]  }
0x39: {  	_ = 	snop;
	(pc) =	sbr.ind lr, $3  }
0x3a: {  	_ = 	snop  }
0x3b: {  	_ = 	snop  }
0x3c: {  	p2 =	seq.s32 s10, $0x1;
	s10 =	sld [smem:$0x3FA5]  }
0x3d: {  	_ =	shalt  }
0x3e: {  	_ =	shalt  }
0x3f: {  	_ =	shalt  }
0x40: {  	_ =	shalt  }
0x41: {  	_ =	shalt  }
0x42: {  	_ =	shalt  }
0x43: {  	_ =	shalt  }
0x44: {  	_ =	shalt  }
0x45: {  	_ =	shalt  }
0x46: {  	_ =	shalt  }
0x47: {  	_ =	shalt  }
0x48: {  	_ =	shalt  }
0x49: {  	_ =	shalt  }
0x4a: {  	_ =	shalt  }
0x4b: {  	_ =	shalt  }
0x4c: {  	_ =	shalt  }
0x4d: {  	_ =	shalt  }
0x4e: {  	_ =	shalt  }
0x4f: {  	_ =	shalt  }
0x50: {  	_ =	shalt  }
0x51: {  	_ =	shalt  }
0x52: {  	_ =	shalt  }
0x53: {  	_ =	shalt  }
0x54: {  	_ =	shalt  }
0x55: {  	_ =	shalt  }
0x56: {  	_ =	shalt  }
0x57: {  	_ =	shalt  }
0x58: {  	_ =	shalt  }
0x59: {  	_ =	shalt  }
0x5a: {  	_ =	shalt  }
0x5b: {  	_ =	shalt  }
0x5c: {  	_ =	shalt  }
0x5d: {  	_ =	shalt  }
0x5e: {  	_ =	shalt  }
0x5f: {  	_ =	shalt  }
0x60: {  	_ =	shalt  }
0x61: {  	_ =	shalt  }
0x62: {  	_ =	shalt  }
0x63: {  	_ =	shalt  }
0x64: {  	_ =	shalt  }
0x65: {  	_ =	shalt  }
0x66: {  	_ =	shalt  }
0x67: {  	_ =	shalt  }
0x68: {  	_ =	shalt  }
0x69: {  	_ =	shalt  }
0x6a: {  	_ =	shalt  }
0x6b: {  	_ =	shalt  }
0x6c: {  	_ =	shalt  }
0x6d: {  	_ =	shalt  }
0x6e: {  	_ =	shalt  }
0x6f: {  	_ =	shalt  }
0x70: {  	_ =	shalt  }
0x71: {  	_ =	shalt  }
0x72: {  	_ =	shalt  }
0x73: {  	_ =	shalt  }
0x74: {  	_ =	shalt  }
0x75: {  	_ =	shalt  }
0x76: {  	_ =	shalt  }
0x77: {  	_ =	shalt  }
0x78: {  	_ =	shalt  }
0x79: {  	_ =	shalt  }
0x7a: {  	_ =	shalt  }
0x7b: {  	_ =	shalt  }
0x7c: {  	_ =	shalt  }
0x7d: {  	_ =	shalt  }
0x7e: {  	_ =	shalt  }
0x7f: {  	_ =	shalt  }
0x80: {  	_ =	shalt  }
0x81: {  	_ =	shalt  }
0x82: {  	_ =	shalt  }
0x83: {  	_ =	shalt  }
0x84: {  	_ =	shalt  }
0x85: {  	_ =	shalt  }
0x86: {  	_ =	shalt  }
0x87: {  	_ =	shalt  }
.Lfunc_end0:
.L_simem_size_0:
called_computation.1_lowered:
.L_overlay_start_0:
0x88: {  	s2 =	sld [smem:$0x3FD9]  }
0x89: {  	s3 =	sld [smem:$0x3FFE];
	_ =	sdelay $0x1  }
0x8a: {  	s1 =	srdreg.scid  }
0x8b: {  	s0 =	sand.u32 $0x1, s1  }
0x8c: {  	s16 =	sshll.u32 s0, $0xA;
	s2 =	sadd.s32 s3, s2  }
0x8d: {  	s2 =	sadd.s32 s2, s16  }
0x8e: {  	[smem:$0x3FB1] =	sst s2  }
0x8f: {  	_ = 	snop  }
0x90: {  	(tm) =	ssettm $0x1  }
0x91: {  	s17 =	sld [smem:$0x3FFB];
	_ =	sdelay $0x3  }
0x92: {  	_ =	strace s17  }
0x93: {  	s2 =	sld [smem:$0x3FFC];
	_ =	sdelay $0x3  }
0x94: {  	_ =	strace s2  }
0x95: {  	s2 =	sld [smem:$0x3FFD];
	_ =	sdelay $0x3  }
0x96: {  	_ =	strace s2  }
0x97: {  	_ =	strace $0x8FFFFFFF  }
0x98: {  	s18 =	sld [smem:$0x3FDB];
	_ =	sdelay $0x1  }
0x99: {  	s19 =	simm.s32 $_scs_section_size  }
0x9a: {  	s4 =	simm.s32 $_size__tile_overlayer_lowered;
	s5 =	simm.s32 $_tile_overlayer_lowered  }
0x9b: {  	s22 =	simm.s32 $0x1BFF;
	s21 =	sshll.u32 s5, $0x1;
	s2 =	sadd.s32 s19, s18  }
0x9c: {  	s6 =	simm.s32 $0x0;
	s20 =	sshll.u32 s4, $0x1;
	s4 =	sadd.s32 s21, s2  }
0x9d: {  	[timem:s6], [sflag:s22] =	dma.local [hbm:s4], s20  }
0x9e: {  	_ =	swait.ge [sflag:s22], s20  }
0x9f: {  	s3 =	ssub.s32 $0x0, s20;
	[sflag:s22] =	ssyncset.done $0x0  }
0xa0: {  	[sflag:s22] =	ssyncadd.s32 s3;
	_ =	sdelay $0x1  }
0xa1: {  	s23 =	simm.s32 $0x1B8B  }
0xa2: {  	_ =	swait.ge [sflag:s23], $0x1  }
0xa3: {  	[sflag:s23] =	ssyncset.done $0x0  }
0xa4: {  	s25 =	simm.s32 $0x1B8E;
	s24 =	sld [smem:$0x3FFE];
	[sflag:s23] =	ssyncadd.s32 $0xFFFFFFFF  }
0xa5: {  	s26 =	simm.s32 $execute0_lowered;
	[smem:$0x3FD2] =	sst s25  }
0xa6: {  	s4 =	sshll.u32 s26, $0x1;
	_ =	strace $0x80000049;
	[dreg:$0x1] =	wrdreg $0xFFFFFFFF  }
0xa7: {  	s28 =	simm.s32 $_size_execute0_lowered;
	s2 =	sadd.s32 s2, s4;
	[dreg:$0x0] =	wrdreg $0x0  }
0xa8: {  	s4 =	sshll.u32 s28, $0x1;
	[dreg:$0x2] =	wrdreg s2  }
0xa9: {  	[dreg:$0x3] =	wrdreg s4  }
0xaa: {  	[dreg:$0x4] =	wrdreg $0xC0  }
0xab: {  	_ =	task [dreg:s6], $0x5FFFF  }
0xac: {  	[dreg:$0x1] =	wrdreg $0xFFFFFFFF  }
0xad: {  	[dreg:$0x0] =	wrdreg $0x60  }
0xae: {  	[dreg:$0x2] =	wrdreg s24  }
0xaf: {  	[dreg:$0x3] =	wrdreg $0x0  }
0xb0: {  	[dreg:$0x4] =	wrdreg $0x9  }
0xb1: {  	_ =	task.clear_ibuf [dreg:s6], $0x5FFFF;
	_ =	strace $0x90000049  }
0xb2: {  	s29 =	simm.s32 $0x9;
	_ =	strace $0x8000004B  }
0xb3: {  	_ =	swait.ge [sflag:s29], $0x1  }
0xb4: {  	[sflag:s29] =	ssyncadd.s32 $0xFFFFFFFF  }
0xb5: {  	_ =	strace $0x9000004B  }
0xb6: {  	_ =	sfence  }
0xb7: {  	s30 =	sld [smem:$0x0];
	_ =	sdelay $0x2  }
0xb8: {  	s31 =	sshll.u32 s1, $0xD;
	s1 =	sshrl.u32 s1, $0x2  }
0xb9: {  	s3 =	sand.u32 $0x4000, s31;
	s1 =	sadd.s32 s1, s30  }
0xba: {  	s0 =	sor.u32 s3, s0;
	s1 =	sshll.u32 s1, $0x11  }
0xbb: {  	s0 =	sor.u32 s1, s0  }
0xbc: {  	s0 =	sadd.s32 $0x8F2B, s0  }
0xbd: {  	[sflag:s0] =	ssyncadd.remote.s32 $0x1  }
0xbe: {  	_ =	sfence.sel $0xFFFF  }
0xbf: {  	[dreg:$0x0] =	wrdreg $0xFFFFFFFF;
	(pc) =	sbr.abs _section_cstart, $3  }
0xc0: {  	[dreg:$0x1] =	wrdreg $0xFFFFFFFF  }
0xc1: {  	_ =	task.clear_ibuf [dreg:s6], $0x2FFFF;
	_ =	strace $0x9FFFFFFF  }
0xc2: {  	(tm) =	ssettm $0x7FFFFFFF  }
0xc3: {  	_ =	shalt  }
tec
execute0_lowered:
.L_overlay_start_1:
0x0: {  	(tag) =	ssettag $0x1  }
0x1: {  	s0 =	rddreg [dreg:$0x0]  }
0x2: {  	s1 =	rddreg [dreg:$0x1];
	s2 =	simm.s32 $0x0  }
0x3: {  	s3 =	stileid.u32;
	s4 =	srdreg.scid;
	s10 =	simm.s32 $0x1  }
0x4: {  	s11 =	simm.s32 $0xC670;
	s12 =	simm.s32 $0x50;
	s13 =	simm.s32 $0xC3A0  }
0x5: {  	s14 =	simm.s32 $0xC8F0;
	s15 =	simm.s32 $0xC3F0;
	s16 =	simm.s32 $0xCB70  }
0x6: {  	s17 =	simm.s32 $0xC440;
	s18 =	simm.s32 $0xCDF0;
	s19 =	simm.s32 $0xC490  }
0x7: {  	s20 =	simm.s32 $0xD070;
	s21 =	simm.s32 $0xC4E0;
	s22 =	simm.s32 $0xD2F0  }
0x8: {  	s23 =	simm.s32 $0xC530;
	s28 =	simm.s32 $0xC5D0;
	s29 =	simm.s32 $0xDA70  }
0x9: {  	s30 =	simm.s32 $0xC620;
	s31 =	simm.s32 $0xDCF0;
	s5 =	smul.u32 $0x61A8, s3  }
0xa: {  	[smem:$0x7FF] =	sst s2;
	s4 =	sand.u32 $0x1, s4;
	s8 =	smul.u32 $0x30D40, s3  }
0xb: {  	p0 =	sne.s32 s3, $0x0;
	_ =	strace $0x8000004A;
	s6 =	smul.u32 $0x186A0, s4  }
0xc: {  	s7 =	ssub.s32 $0x2, s4;
	s4 =	smul.u32 $0x30D4, s4;
	s5 =	sadd.s32 s5, s0  }
0xd: {  	s9 =	sshrl.u32 s7, $0x1;
	s6 =	sadd.s32 s6, s0;
	s0 =	sadd.s32 $0x6000, s0  }
0xe: {  	s24 =	ssub.s32 s7, s9;
	s4 =	sadd.s32 s4, s5;
	s5 =	sshrl.u32 @!p0 s1, $0x3  }
0xf: {  	s9 =	simm.s32 $0xC350;
	[dreg:$0x3] =	wrdreg s0;
	s25 =	sadd.s32 $0x1E800, s6  }
0x10: {  	s0 =	smax.u32 s24, $0x1;
	s26 =	sadd.s32 s8, s6;
	[dreg:$0x7] =	wrdreg s5  }
0x11: {  	s7 =	sadd.s32 $0x67C00, s4;
	s24 =	simm.s32 $0xD570;
	[dreg:$0x4] =	wrdreg s25  }
0x12: {  	[dreg:$0x5] =	wrdreg s0;
	s0 =	sadd.s32 $0xE3000, s26;
	s25 =	simm.s32 $0xC580  }
0x13: {  	s26 =	simm.s32 $0xD7F0;
	[dreg:$0x6] =	wrdreg s0;
	s0 =	simm.s32 $0x0  }
.LBB2_1:
0x14: {  	s3 =	simm.s32 @!p0 $0x1C01;
	s4 =	rddreg [dreg:$0x3]  }
0x15: {  	[spmem:s5], [sflag:s3] =	dma.local @!p0 [hbm:s4], $0x186A0  }
0x16: {  	s3 =	simm.s32 @!p0 $0x1  }
0x17: {  	_ =	swait.ge @!p0 [sflag:s3], $0x186A0  }
0x18: {  	[sflag:s3] =	ssyncset.done @!p0 $0x0  }
0x19: {  	[sflag:s3] =	ssyncadd.s32 @!p0 $0xFFFE7960  }
0x1a: {  	s6 =	sadd.s32 $0x0, s7;
	[bflag:$0x0] =	sbarrier.arrive $0xFFFF  }
0x1b: {  	[tilespmem:s9], [sflag:$0x1] =	stream.linear.gather [hbm4b:s6+s2], $0x320, $0x38;
	[tilespmem:$0xDF70] =	vst v63  }
0x1c: {  	_ =	swait.ge [sflag:s10], $0x320  }
0x1d: {  	[sflag:s10] =	ssyncset.done $0x0  }
0x1e: {  	s8 =	rddreg [dreg:$0x6];
	[sflag:s10] =	ssyncadd.s32 $0xFFFFFCE0  }
0x1f: {  	[tilespmem:s11], [sflag:$0x1] =	stream.linear.gather [hbm4b:s8+s2], $0x1900, $0x38;
	[tilespmem:$0xDF70] =	vst v63  }
0x20: {  	_ =	swait.ge [sflag:s10], $0x1900  }
0x21: {  	[sflag:s10] =	ssyncset.done $0x0  }
0x22: {  	[sflag:s10] =	ssyncadd.s32 $0xFFFFE700  }
0x23: {  	[spmem:s1] =	stream.indirect.scatter.add.f32 [tilespmem:s11], [sflag:$0x1], $0x8, s9, s12, $0xb8;
	[tilespmem:$0xDF70] =	vst v63  }
0x24: {  	_ =	swait.ge [sflag:s10], $0x280  }
0x25: {  	[sflag:s10] =	ssyncset.done $0x0  }
0x26: {  	[sflag:s10] =	ssyncadd.s32 $0xFFFFFD80  }
0x27: {  	[spmem:s1] =	stream.indirect.scatter.add.f32 [tilespmem:s14], [sflag:$0x1], $0x8, s13, s12, $0xb8;
	[tilespmem:$0xDF70] =	vst v63  }
0x28: {  	_ =	swait.ge [sflag:s10], $0x280  }
0x29: {  	[sflag:s10] =	ssyncset.done $0x0  }
0x2a: {  	[sflag:s10] =	ssyncadd.s32 $0xFFFFFD80  }
0x2b: {  	[spmem:s1] =	stream.indirect.scatter.add.f32 [tilespmem:s16], [sflag:$0x1], $0x8, s15, s12, $0xb8;
	[tilespmem:$0xDF70] =	vst v63  }
0x2c: {  	_ =	swait.ge [sflag:s10], $0x280  }
0x2d: {  	[sflag:s10] =	ssyncset.done $0x0  }
0x2e: {  	[sflag:s10] =	ssyncadd.s32 $0xFFFFFD80  }
0x2f: {  	[spmem:s1] =	stream.indirect.scatter.add.f32 [tilespmem:s18], [sflag:$0x1], $0x8, s17, s12, $0xb8;
	[tilespmem:$0xDF70] =	vst v63  }
0x30: {  	_ =	swait.ge [sflag:s10], $0x280  }
0x31: {  	[sflag:s10] =	ssyncset.done $0x0  }
0x32: {  	[sflag:s10] =	ssyncadd.s32 $0xFFFFFD80  }
0x33: {  	[spmem:s1] =	stream.indirect.scatter.add.f32 [tilespmem:s20], [sflag:$0x1], $0x8, s19, s12, $0xb8;
	[tilespmem:$0xDF70] =	vst v63  }
0x34: {  	_ =	swait.ge [sflag:s10], $0x280  }
0x35: {  	[sflag:s10] =	ssyncset.done $0x0  }
0x36: {  	[sflag:s10] =	ssyncadd.s32 $0xFFFFFD80  }
0x37: {  	[spmem:s1] =	stream.indirect.scatter.add.f32 [tilespmem:s22], [sflag:$0x1], $0x8, s21, s12, $0xb8;
	[tilespmem:$0xDF70] =	vst v63  }
0x38: {  	_ =	swait.ge [sflag:s10], $0x280  }
0x39: {  	[sflag:s10] =	ssyncset.done $0x0  }
0x3a: {  	[sflag:s10] =	ssyncadd.s32 $0xFFFFFD80  }
0x3b: {  	[spmem:s1] =	stream.indirect.scatter.add.f32 [tilespmem:s24], [sflag:$0x1], $0x8, s23, s12, $0xb8;
	[tilespmem:$0xDF70] =	vst v63  }
0x3c: {  	_ =	swait.ge [sflag:s10], $0x280  }
0x3d: {  	[sflag:s10] =	ssyncset.done $0x0  }
0x3e: {  	[sflag:s10] =	ssyncadd.s32 $0xFFFFFD80  }
0x3f: {  	[spmem:s1] =	stream.indirect.scatter.add.f32 [tilespmem:s26], [sflag:$0x1], $0x8, s25, s12, $0xb8;
	[tilespmem:$0xDF70] =	vst v63  }
0x40: {  	_ =	swait.ge [sflag:s10], $0x280  }
0x41: {  	[sflag:s10] =	ssyncset.done $0x0  }
0x42: {  	[sflag:s10] =	ssyncadd.s32 $0xFFFFFD80  }
0x43: {  	[spmem:s1] =	stream.indirect.scatter.add.f32 [tilespmem:s29], [sflag:$0x1], $0x8, s28, s12, $0xb8;
	[tilespmem:$0xDF70] =	vst v63  }
0x44: {  	_ =	swait.ge [sflag:s10], $0x280  }
0x45: {  	[sflag:s10] =	ssyncset.done $0x0  }
0x46: {  	[sflag:s10] =	ssyncadd.s32 $0xFFFFFD80  }
0x47: {  	[spmem:s1] =	stream.indirect.scatter.add.f32 [tilespmem:s31], [sflag:$0x1], $0x8, s30, s12, $0xb8;
	[tilespmem:$0xDF70] =	vst v63  }
0x48: {  	s4 =	simm.s32 $0x64;
	_ =	swait.ge [sflag:s10], $0x280  }
0x49: {  	s5 =	simm.s32 $0xC8;
	s3 =	sadd.s32 $0x320, s8;
	[sflag:s10] =	ssyncset.done $0x0  }
.LBB2_2:
0x4a: {  	s8 =	sadd.s32 s4, s7  }
0x4b: {  	[sflag:s10] =	ssyncadd.s32 $0xFFFFFD80;
	s4 =	smov.u32 s5;
	s6 =	sadd.s32 $0x64, s5  }
0x4c: {  	[tilespmem:s9], [sflag:$0x1] =	stream.linear.gather [hbm4b:s8+s2], $0x320, $0x38;
	[tilespmem:$0xDF70] =	vst v63  }
0x4d: {  	p1 =	sne.s32 s5, $0x3070;
	_ =	swait.ge [sflag:s10], $0x320  }
0x4e: {  	[sflag:s10] =	ssyncset.done $0x0  }
0x4f: {  	[sflag:s10] =	ssyncadd.s32 $0xFFFFFCE0  }
0x50: {  	[tilespmem:s11], [sflag:$0x1] =	stream.linear.gather [hbm4b:s3+s2], $0x1900, $0x38;
	[tilespmem:$0xDF70] =	vst v63  }
0x51: {  	_ =	swait.ge [sflag:s10], $0x1900  }
0x52: {  	[sflag:s10] =	ssyncset.done $0x0  }
0x53: {  	[sflag:s10] =	ssyncadd.s32 $0xFFFFE700  }
0x54: {  	[spmem:s1] =	stream.indirect.scatter.add.f32 [tilespmem:s11], [sflag:$0x1], $0x8, s9, s12, $0xb8;
	[tilespmem:$0xDF70] =	vst v63  }
0x55: {  	_ =	swait.ge [sflag:s10], $0x280  }
0x56: {  	[sflag:s10] =	ssyncset.done $0x0  }
0x57: {  	[sflag:s10] =	ssyncadd.s32 $0xFFFFFD80  }
0x58: {  	[spmem:s1] =	stream.indirect.scatter.add.f32 [tilespmem:s14], [sflag:$0x1], $0x8, s13, s12, $0xb8;
	[tilespmem:$0xDF70] =	vst v63  }
0x59: {  	_ =	swait.ge [sflag:s10], $0x280  }
0x5a: {  	[sflag:s10] =	ssyncset.done $0x0  }
0x5b: {  	[sflag:s10] =	ssyncadd.s32 $0xFFFFFD80  }
0x5c: {  	[spmem:s1] =	stream.indirect.scatter.add.f32 [tilespmem:s16], [sflag:$0x1], $0x8, s15, s12, $0xb8;
	[tilespmem:$0xDF70] =	vst v63  }
0x5d: {  	_ =	swait.ge [sflag:s10], $0x280  }
0x5e: {  	[sflag:s10] =	ssyncset.done $0x0  }
0x5f: {  	[sflag:s10] =	ssyncadd.s32 $0xFFFFFD80  }
0x60: {  	[spmem:s1] =	stream.indirect.scatter.add.f32 [tilespmem:s18], [sflag:$0x1], $0x8, s17, s12, $0xb8;
	[tilespmem:$0xDF70] =	vst v63  }
0x61: {  	_ =	swait.ge [sflag:s10], $0x280  }
0x62: {  	[sflag:s10] =	ssyncset.done $0x0  }
0x63: {  	[sflag:s10] =	ssyncadd.s32 $0xFFFFFD80  }
0x64: {  	[spmem:s1] =	stream.indirect.scatter.add.f32 [tilespmem:s20], [sflag:$0x1], $0x8, s19, s12, $0xb8;
	[tilespmem:$0xDF70] =	vst v63  }
0x65: {  	_ =	swait.ge [sflag:s10], $0x280  }
0x66: {  	[sflag:s10] =	ssyncset.done $0x0  }
0x67: {  	[sflag:s10] =	ssyncadd.s32 $0xFFFFFD80  }
0x68: {  	[spmem:s1] =	stream.indirect.scatter.add.f32 [tilespmem:s22], [sflag:$0x1], $0x8, s21, s12, $0xb8;
	[tilespmem:$0xDF70] =	vst v63  }
0x69: {  	_ =	swait.ge [sflag:s10], $0x280  }
0x6a: {  	[sflag:s10] =	ssyncset.done $0x0  }
0x6b: {  	[sflag:s10] =	ssyncadd.s32 $0xFFFFFD80  }
0x6c: {  	[spmem:s1] =	stream.indirect.scatter.add.f32 [tilespmem:s24], [sflag:$0x1], $0x8, s23, s12, $0xb8;
	[tilespmem:$0xDF70] =	vst v63  }
0x6d: {  	_ =	swait.ge [sflag:s10], $0x280  }
0x6e: {  	[sflag:s10] =	ssyncset.done $0x0  }
0x6f: {  	[sflag:s10] =	ssyncadd.s32 $0xFFFFFD80  }
0x70: {  	[spmem:s1] =	stream.indirect.scatter.add.f32 [tilespmem:s26], [sflag:$0x1], $0x8, s25, s12, $0xb8;
	[tilespmem:$0xDF70] =	vst v63  }
0x71: {  	_ =	swait.ge [sflag:s10], $0x280  }
0x72: {  	[sflag:s10] =	ssyncset.done $0x0  }
0x73: {  	[sflag:s10] =	ssyncadd.s32 $0xFFFFFD80  }
0x74: {  	[spmem:s1] =	stream.indirect.scatter.add.f32 [tilespmem:s29], [sflag:$0x1], $0x8, s28, s12, $0xb8;
	[tilespmem:$0xDF70] =	vst v63  }
0x75: {  	_ =	swait.ge [sflag:s10], $0x280  }
.Ltmp0:
0x76: {  	[sflag:s10] =	ssyncset.done $0x0;
	(pc) =	sbr.rel @p1 .LBB2_2-.Ltmp0, $4  }
0x77: {  	[sflag:s10] =	ssyncadd.s32 $0xFFFFFD80  }
0x78: {  	[spmem:s1] =	stream.indirect.scatter.add.f32 [tilespmem:s31], [sflag:$0x1], $0x8, s30, s12, $0xb8;
	[tilespmem:$0xDF70] =	vst v63  }
0x79: {  	_ =	swait.ge [sflag:s10], $0x280  }
0x7a: {  	s5 =	smov.u32 s6;
	s3 =	sadd.s32 $0x320, s3;
	[sflag:s10] =	ssyncset.done $0x0  }
0x7b: {  	s4 =	sadd.s32 s4, s7;
	[sflag:s10] =	ssyncadd.s32 $0xFFFFFD80  }
0x7c: {  	[tilespmem:s9], [sflag:$0x1] =	stream.linear.gather [hbm4b:s4+s2], $0x320, $0x38;
	[tilespmem:$0xDF70] =	vst v63  }
0x7d: {  	_ =	swait.ge [sflag:s10], $0x320  }
0x7e: {  	[sflag:s10] =	ssyncset.done $0x0  }
0x7f: {  	[sflag:s10] =	ssyncadd.s32 $0xFFFFFCE0  }
0x80: {  	[tilespmem:s11], [sflag:$0x1] =	stream.linear.gather [hbm4b:s3+s2], $0x1900, $0x38;
	[tilespmem:$0xDF70] =	vst v63  }
0x81: {  	_ =	swait.ge [sflag:s10], $0x1900  }
0x82: {  	[sflag:s10] =	ssyncset.done $0x0  }
0x83: {  	[sflag:s10] =	ssyncadd.s32 $0xFFFFE700  }
0x84: {  	[spmem:s1] =	stream.indirect.scatter.add.f32 [tilespmem:s11], [sflag:$0x1], $0x8, s9, s12, $0xb8;
	[tilespmem:$0xDF70] =	vst v63  }
0x85: {  	_ =	swait.ge [sflag:s10], $0x280  }
0x86: {  	[sflag:s10] =	ssyncset.done $0x0  }
0x87: {  	[sflag:s10] =	ssyncadd.s32 $0xFFFFFD80  }
0x88: {  	[spmem:s1] =	stream.indirect.scatter.add.f32 [tilespmem:s14], [sflag:$0x1], $0x8, s13, s12, $0xb8;
	[tilespmem:$0xDF70] =	vst v63  }
0x89: {  	_ =	swait.ge [sflag:s10], $0x280  }
0x8a: {  	[sflag:s10] =	ssyncset.done $0x0  }
0x8b: {  	[sflag:s10] =	ssyncadd.s32 $0xFFFFFD80  }
0x8c: {  	[spmem:s1] =	stream.indirect.scatter.add.f32 [tilespmem:s16], [sflag:$0x1], $0x8, s15, s12, $0xb8;
	[tilespmem:$0xDF70] =	vst v63  }
0x8d: {  	_ =	swait.ge [sflag:s10], $0x280  }
0x8e: {  	[sflag:s10] =	ssyncset.done $0x0  }
0x8f: {  	[sflag:s10] =	ssyncadd.s32 $0xFFFFFD80  }
0x90: {  	[spmem:s1] =	stream.indirect.scatter.add.f32 [tilespmem:s18], [sflag:$0x1], $0x8, s17, s12, $0xb8;
	[tilespmem:$0xDF70] =	vst v63  }
0x91: {  	_ =	swait.ge [sflag:s10], $0x280  }
0x92: {  	[sflag:s10] =	ssyncset.done $0x0  }
0x93: {  	[sflag:s10] =	ssyncadd.s32 $0xFFFFFD80  }
0x94: {  	[spmem:s1] =	stream.indirect.scatter.add.f32 [tilespmem:s20], [sflag:$0x1], $0x8, s19, s12, $0xb8;
	[tilespmem:$0xDF70] =	vst v63  }
0x95: {  	_ =	swait.ge [sflag:s10], $0x280  }
0x96: {  	[sflag:s10] =	ssyncset.done $0x0  }
0x97: {  	[sflag:s10] =	ssyncadd.s32 $0xFFFFFD80  }
0x98: {  	[spmem:s1] =	stream.indirect.scatter.add.f32 [tilespmem:s22], [sflag:$0x1], $0x8, s21, s12, $0xb8;
	[tilespmem:$0xDF70] =	vst v63  }
0x99: {  	_ =	swait.ge [sflag:s10], $0x280  }
0x9a: {  	[sflag:s10] =	ssyncset.done $0x0  }
0x9b: {  	[sflag:s10] =	ssyncadd.s32 $0xFFFFFD80  }
0x9c: {  	[spmem:s1] =	stream.indirect.scatter.add.f32 [tilespmem:s24], [sflag:$0x1], $0x8, s23, s12, $0xb8;
	[tilespmem:$0xDF70] =	vst v63  }
0x9d: {  	_ =	swait.ge [sflag:s10], $0x280  }
0x9e: {  	[sflag:s10] =	ssyncset.done $0x0  }
0x9f: {  	[sflag:s10] =	ssyncadd.s32 $0xFFFFFD80  }
0xa0: {  	[spmem:s1] =	stream.indirect.scatter.add.f32 [tilespmem:s26], [sflag:$0x1], $0x8, s25, s12, $0xb8;
	[tilespmem:$0xDF70] =	vst v63  }
0xa1: {  	_ =	swait.ge [sflag:s10], $0x280  }
0xa2: {  	[sflag:s10] =	ssyncset.done $0x0  }
0xa3: {  	[sflag:s10] =	ssyncadd.s32 $0xFFFFFD80  }
0xa4: {  	[spmem:s1] =	stream.indirect.scatter.add.f32 [tilespmem:s29], [sflag:$0x1], $0x8, s28, s12, $0xb8;
	[tilespmem:$0xDF70] =	vst v63  }
0xa5: {  	_ =	swait.ge [sflag:s10], $0x280  }
0xa6: {  	[sflag:s10] =	ssyncset.done $0x0  }
0xa7: {  	[sflag:s10] =	ssyncadd.s32 $0xFFFFFD80  }
0xa8: {  	[spmem:s1] =	stream.indirect.scatter.add.f32 [tilespmem:s31], [sflag:$0x1], $0x8, s30, s12, $0xb8;
	[tilespmem:$0xDF70] =	vst v63  }
0xa9: {  	_ =	swait.ge [sflag:s10], $0x280  }
0xaa: {  	[sflag:s10] =	ssyncset.done $0x0  }
0xab: {  	[sflag:s10] =	ssyncadd.s32 $0xFFFFFD80  }
0xac: {  	[bflag:$0x0] =	sbarrier.arrive $0xFFFF  }
0xad: {  	s4 =	rddreg [dreg:$0x4]  }
0xae: {  	s3 =	simm.s32 @!p0 $0x1C01;
	s5 =	rddreg [dreg:$0x7]  }
0xaf: {  	[hbm:s4], [sflag:s3] =	dma.local @!p0 [spmem:s5], $0x186A0  }
0xb0: {  	s3 =	simm.s32 @!p0 $0x1  }
0xb1: {  	_ =	swait.ge @!p0 [sflag:s3], $0x186A0  }
0xb2: {  	s0 =	sadd.s32 $0x1, s0;
	s8 =	rddreg [dreg:$0x5]  }
0xb3: {  	p1 =	sne.s32 s0, s8  }
.Ltmp1:
0xb4: {  	_ = 	snop;
	(pc) =	sbr.rel @p1 .LBB2_1-.Ltmp1, $3  }
0xb5: {  	_ =	sdelay $0x1  }
0xb6: {  	[sflag:s3] =	ssyncset.done @!p0 $0x0  }
0xb7: {  	[sflag:s3] =	ssyncadd.s32 @!p0 $0xFFFE7960  }
0xb8: {  	_ =	sfence.sel $0x180000  }
0xb9: {  	[bflag:$0x0] =	sbarrier.arrive $0xFFFF  }
0xba: {  	_ =	strace $0x9000004A  }
0xbb: {  	[bflag:$0x2] =	sbarrier.arrive $0xFFFF  }
0xbc: {  	s0 =	rddreg [dreg:$0x2]  }
0xbd: {  	s0 =	sadd.s32 @!p0 $0x100000, s0  }
0xbe: {  	[sflag:s0] =	ssyncadd.tile.s32 @!p0 $0x1;
	_ =	shalt  }
.Lfunc_end2:
_tile_overlayer_lowered:
.L_overlay_start_2:
0xbf: {  	(tag) =	ssettag $0x2  }
0xc0: {  	s0 =	rddreg [dreg:$0x0];
	s2 =	stileid.u32  }
0xc1: {  	s1 =	rddreg [dreg:$0x1];
	p0 =	sne.s32 s2, $0x0  }
0xc2: {  	s3 =	rddreg [dreg:$0x2];
	[bflag:$0x3] =	sbarrier.arrive $0xFFFF;
	s2 =	simm.s32 @!p0 $0x1C01  }
0xc3: {  	[timem:s3], [sflag:s2] =	dma.local @!p0 [hbm:s0], s1  }
0xc4: {  	s0 =	simm.s32 @!p0 $0x1  }
0xc5: {  	_ =	swait.ge @!p0 [sflag:s0], s1  }
0xc6: {  	s1 =	ssub.s32 @!p0 $0x0, s1;
	[sflag:s0] =	ssyncset.done @!p0 $0x0  }
0xc7: {  	[sflag:s0] =	ssyncadd.s32 @!p0 s1  }
0xc8: {  	[bflag:$0x3] =	sbarrier.arrive $0xFFFF  }
0xc9: {  	_ =	shalt  }

// kernel: kernel.9.cloned.1.call-start
scs
__scs_entry_jumppad:
0x0: {  	(pc) =	sbr.rel $0x88, $3  }
0x1: {  	(tag) =	ssettag $0x0;
	lr =	simm.s32 $0x1  }
0x2: {  	[smem:$0x3F8A] =	sst lr;
	_ =	strace $0xD0000000  }
0x3: {  	_ = 	snop  }
0x4: {  	_ = 	snop  }
0x5: {  	_ = 	snop  }
0x6: {  	_ = 	snop  }
0x7: {  	_ = 	snop  }
__scs_overlays_trampoline_lowered:
0x8: {  	[smem:$0x3F99] =	sst s0  }
0x9: {  	[smem:$0x3F9A] =	sst s1  }
0xa: {  	[smem:$0x3F9B] =	sst s2  }
0xb: {  	[smem:$0x3F9C] =	sst s3  }
0xc: {  	[smem:$0x3F9D] =	sst s4  }
0xd: {  	[smem:$0x3F9E] =	sst s5  }
0xe: {  	[smem:$0x3F9F] =	sst s6  }
0xf: {  	[smem:$0x3FA0] =	sst s7  }
0x10: {  	[smem:$0x3FA1] =	sst s8  }
0x11: {  	[smem:$0x3FA2] =	sst s9;
	s0 =	simm.s32 @!p0 $0x0  }
0x12: {  	s1 =	sld [smem:$0x3F88];
	s0 =	simm.s32 @p0 $0x1  }
0x13: {  	[smem:$0x3FA3] =	sst s0;
	s0 =	simm.s32 @!p1 $0x0  }
0x14: {  	s2 =	sld [smem:$0x3F87];
	s0 =	simm.s32 @p1 $0x1  }
0x15: {  	[smem:$0x3FA4] =	sst s0;
	s0 =	simm.s32 @!p2 $0x0  }
0x16: {  	s3 =	sld [smem:$0x3FDB];
	s0 =	simm.s32 @p2 $0x1  }
0x17: {  	s4 =	simm.s32 $0x1BF5;
	[smem:$0x3FA6] =	sst s0  }
0x18: {  	s0 =	sld [smem:$0x3F89];
	_ =	swait.ge [sflag:s4], $0x0  }
0x19: {  	s7 =	sld [smem:$0x3F8A]  }
0x1a: {  	s8 =	sadd.s32 $0xFFFFE003, lr  }
0x1b: {  	s9 =	sadd.s32 $0xFFFFFEF7, lr;
	s5 =	simm.s32 $0xFFFFFFFF;
	p2 =	slt.u32 s8, $0xFFFFF086  }
0x1c: {  	p1 =	slt.u32 s9, $0xF7A;
	s5 =	simm.s32 @!p2 $0x0  }
0x1d: {  	s5 =	simm.s32 @p1 $0x1;
	p0 =	seq.s32 s7, s2  }
0x1e: {  	s7 =	smul.u32 @!p0 $0xF7A, s2;
	p2 =	seq.s32 @!p0 s5, $0x0  }
0x1f: {  	s9 =	smul.u32 $0xF7A, s1;
	s8 =	simm.s32 @!p0 $0x1BF5;
	p2 =	por !p2, p0  }
0x20: {  	[sflag:s8] =	ssyncset.s32 @!p0 $0xFFFFF086;
	s6 =	sadd.s32 @!p0 s3, s7;
	s7 =	simm.s32 @!p0 $0x108  }
0x21: {  	s3 =	sadd.s32 s3, s9;
	s6 =	sadd.s32 @!p0 $0x88, s6;
	s7 =	simm.s32 @p2 $0x1082  }
0x22: {  	[simem:s7], [sflag:s8] =	dma.local @!p0 [hbm:s6], $0xF7A  }
0x23: {  	s9 =	sor.u32 $0xD0000000, s2;
	s6 =	simm.s32 $0x108;
	_ =	swait.ge @!p0 [sflag:s8], $0x0  }
0x24: {  	s3 =	sadd.s32 $0x88, s3;
	s6 =	simm.s32 @!p1 $0x1082;
	[sflag:s4] =	ssyncset.s32 $0xFFFFF086  }
0x25: {  	[simem:s6], [sflag:s4] =	dma.local [hbm:s3], $0xF7A  }
0x26: {  	[smem:$0x3F8A] =	sst s1;
	(tag) =	ssettag s2;
	_ =	strace s9  }
0x27: {  	s1 =	sld [smem:$0x3F9A]  }
0x28: {  	s2 =	sld [smem:$0x3F9B]  }
0x29: {  	s4 =	sld [smem:$0x3F9D]  }
0x2a: {  	p0 =	seq.s32 s5, $0x0;
	s5 =	sld [smem:$0x3F9E]  }
0x2b: {  	s6 =	sld [smem:$0x3F9F]  }
0x2c: {  	s7 =	sld [smem:$0x3FA0]  }
0x2d: {  	s3 =	simm.s32 $0x108;
	s8 =	sld [smem:$0x3FA1]  }
0x2e: {  	s3 =	simm.s32 @!p0 $0x1082;
	s9 =	sld [smem:$0x3FA2]  }
0x2f: {  	lr =	sadd.s32 s0, s3;
	s0 =	sld [smem:$0x3F99]  }
0x30: {  	s3 =	sld [smem:$0x3F9C]  }
0x31: {  	[smem:$0x3FA5] =	sst s10  }
0x32: {  	s10 =	sld [smem:$0x3FA3];
	_ =	sdelay $0x3  }
0x33: {  	p0 =	seq.s32 s10, $0x1;
	s10 =	sld [smem:$0x3FA5];
	_ =	sdelay $0x3  }
0x34: {  	[smem:$0x3FA5] =	sst s10  }
0x35: {  	s10 =	sld [smem:$0x3FA4];
	_ =	sdelay $0x3  }
0x36: {  	p1 =	seq.s32 s10, $0x1;
	s10 =	sld [smem:$0x3FA5];
	_ =	sdelay $0x3  }
0x37: {  	[smem:$0x3FA5] =	sst s10  }
0x38: {  	s10 =	sld [smem:$0x3FA6]  }
0x39: {  	_ = 	snop;
	(pc) =	sbr.ind lr, $3  }
0x3a: {  	_ = 	snop  }
0x3b: {  	_ = 	snop  }
0x3c: {  	p2 =	seq.s32 s10, $0x1;
	s10 =	sld [smem:$0x3FA5]  }
0x3d: {  	_ =	shalt  }
0x3e: {  	_ =	shalt  }
0x3f: {  	_ =	shalt  }
0x40: {  	_ =	shalt  }
0x41: {  	_ =	shalt  }
0x42: {  	_ =	shalt  }
0x43: {  	_ =	shalt  }
0x44: {  	_ =	shalt  }
0x45: {  	_ =	shalt  }
0x46: {  	_ =	shalt  }
0x47: {  	_ =	shalt  }
0x48: {  	_ =	shalt  }
0x49: {  	_ =	shalt  }
0x4a: {  	_ =	shalt  }
0x4b: {  	_ =	shalt  }
0x4c: {  	_ =	shalt  }
0x4d: {  	_ =	shalt  }
0x4e: {  	_ =	shalt  }
0x4f: {  	_ =	shalt  }
0x50: {  	_ =	shalt  }
0x51: {  	_ =	shalt  }
0x52: {  	_ =	shalt  }
0x53: {  	_ =	shalt  }
0x54: {  	_ =	shalt  }
0x55: {  	_ =	shalt  }
0x56: {  	_ =	shalt  }
0x57: {  	_ =	shalt  }
0x58: {  	_ =	shalt  }
0x59: {  	_ =	shalt  }
0x5a: {  	_ =	shalt  }
0x5b: {  	_ =	shalt  }
0x5c: {  	_ =	shalt  }
0x5d: {  	_ =	shalt  }
0x5e: {  	_ =	shalt  }
0x5f: {  	_ =	shalt  }
0x60: {  	_ =	shalt  }
0x61: {  	_ =	shalt  }
0x62: {  	_ =	shalt  }
0x63: {  	_ =	shalt  }
0x64: {  	_ =	shalt  }
0x65: {  	_ =	shalt  }
0x66: {  	_ =	shalt  }
0x67: {  	_ =	shalt  }
0x68: {  	_ =	shalt  }
0x69: {  	_ =	shalt  }
0x6a: {  	_ =	shalt  }
0x6b: {  	_ =	shalt  }
0x6c: {  	_ =	shalt  }
0x6d: {  	_ =	shalt  }
0x6e: {  	_ =	shalt  }
0x6f: {  	_ =	shalt  }
0x70: {  	_ =	shalt  }
0x71: {  	_ =	shalt  }
0x72: {  	_ =	shalt  }
0x73: {  	_ =	shalt  }
0x74: {  	_ =	shalt  }
0x75: {  	_ =	shalt  }
0x76: {  	_ =	shalt  }
0x77: {  	_ =	shalt  }
0x78: {  	_ =	shalt  }
0x79: {  	_ =	shalt  }
0x7a: {  	_ =	shalt  }
0x7b: {  	_ =	shalt  }
0x7c: {  	_ =	shalt  }
0x7d: {  	_ =	shalt  }
0x7e: {  	_ =	shalt  }
0x7f: {  	_ =	shalt  }
0x80: {  	_ =	shalt  }
0x81: {  	_ =	shalt  }
0x82: {  	_ =	shalt  }
0x83: {  	_ =	shalt  }
0x84: {  	_ =	shalt  }
0x85: {  	_ =	shalt  }
0x86: {  	_ =	shalt  }
0x87: {  	_ =	shalt  }
.Lfunc_end0:
.L_simem_size_0:
called_computation_lowered:
.L_overlay_start_0:
0x88: {  	s2 =	sld [smem:$0x3FD9]  }
0x89: {  	s3 =	sld [smem:$0x3FFE];
	_ =	sdelay $0x1  }
0x8a: {  	s1 =	srdreg.scid  }
0x8b: {  	s0 =	sand.u32 $0x1, s1  }
0x8c: {  	s16 =	sshll.u32 s0, $0xA;
	s2 =	sadd.s32 s3, s2  }
0x8d: {  	s2 =	sadd.s32 s2, s16  }
0x8e: {  	[smem:$0x3FB1] =	sst s2  }
0x8f: {  	_ = 	snop  }
0x90: {  	(tm) =	ssettm $0x1  }
0x91: {  	s17 =	sld [smem:$0x3FFB];
	_ =	sdelay $0x3  }
0x92: {  	_ =	strace s17  }
0x93: {  	s2 =	sld [smem:$0x3FFC];
	_ =	sdelay $0x3  }
0x94: {  	_ =	strace s2  }
0x95: {  	s2 =	sld [smem:$0x3FFD];
	_ =	sdelay $0x3  }
0x96: {  	_ =	strace s2  }
0x97: {  	_ =	strace $0x8FFFFFFF  }
0x98: {  	s18 =	sld [smem:$0x3FDB];
	_ =	sdelay $0x1  }
0x99: {  	s19 =	simm.s32 $_scs_section_size  }
0x9a: {  	s4 =	simm.s32 $_size__tile_overlayer_lowered;
	s5 =	simm.s32 $_tile_overlayer_lowered  }
0x9b: {  	s22 =	simm.s32 $0x1BFF;
	s21 =	sshll.u32 s5, $0x1;
	s2 =	sadd.s32 s19, s18  }
0x9c: {  	s6 =	simm.s32 $0x0;
	s20 =	sshll.u32 s4, $0x1;
	s4 =	sadd.s32 s21, s2  }
0x9d: {  	[timem:s6], [sflag:s22] =	dma.local [hbm:s4], s20  }
0x9e: {  	_ =	swait.ge [sflag:s22], s20  }
0x9f: {  	s3 =	ssub.s32 $0x0, s20;
	[sflag:s22] =	ssyncset.done $0x0  }
0xa0: {  	[sflag:s22] =	ssyncadd.s32 s3;
	_ =	sdelay $0x1  }
0xa1: {  	s23 =	simm.s32 $0x1B8B  }
0xa2: {  	_ =	swait.ge [sflag:s23], $0x1  }
0xa3: {  	[sflag:s23] =	ssyncset.done $0x0  }
0xa4: {  	s25 =	simm.s32 $0x1B8E;
	s24 =	sld [smem:$0x3FFE];
	[sflag:s23] =	ssyncadd.s32 $0xFFFFFFFF  }
0xa5: {  	s26 =	simm.s32 $execute0_lowered;
	[smem:$0x3FD2] =	sst s25  }
0xa6: {  	s4 =	sshll.u32 s26, $0x1;
	_ =	strace $0x80000046;
	[dreg:$0x1] =	wrdreg $0xFFFFFFFF  }
0xa7: {  	s28 =	simm.s32 $_size_execute0_lowered;
	s2 =	sadd.s32 s2, s4;
	[dreg:$0x0] =	wrdreg $0x0  }
0xa8: {  	s4 =	sshll.u32 s28, $0x1;
	[dreg:$0x2] =	wrdreg s2  }
0xa9: {  	[dreg:$0x3] =	wrdreg s4  }
0xaa: {  	[dreg:$0x4] =	wrdreg $0xC0  }
0xab: {  	_ =	task [dreg:s6], $0x5FFFF  }
0xac: {  	[dreg:$0x1] =	wrdreg $0xFFFFFFFF  }
0xad: {  	[dreg:$0x0] =	wrdreg $0x60  }
0xae: {  	[dreg:$0x2] =	wrdreg s24  }
0xaf: {  	[dreg:$0x3] =	wrdreg $0x0  }
0xb0: {  	[dreg:$0x4] =	wrdreg $0x9  }
0xb1: {  	_ =	task.clear_ibuf [dreg:s6], $0x5FFFF;
	_ =	strace $0x90000046  }
0xb2: {  	s29 =	simm.s32 $0x9;
	_ =	strace $0x80000048  }
0xb3: {  	_ =	swait.ge [sflag:s29], $0x1  }
0xb4: {  	[sflag:s29] =	ssyncadd.s32 $0xFFFFFFFF  }
0xb5: {  	_ =	strace $0x90000048  }
0xb6: {  	_ =	sfence  }
0xb7: {  	s30 =	sld [smem:$0x0];
	_ =	sdelay $0x2  }
0xb8: {  	s31 =	sshll.u32 s1, $0xD;
	s1 =	sshrl.u32 s1, $0x2  }
0xb9: {  	s3 =	sand.u32 $0x4000, s31;
	s1 =	sadd.s32 s1, s30  }
0xba: {  	s0 =	sor.u32 s3, s0;
	s1 =	sshll.u32 s1, $0x11  }
0xbb: {  	s0 =	sor.u32 s1, s0  }
0xbc: {  	s0 =	sadd.s32 $0x8F2B, s0  }
0xbd: {  	[sflag:s0] =	ssyncadd.remote.s32 $0x1  }
0xbe: {  	_ =	sfence.sel $0xFFFF  }
0xbf: {  	[dreg:$0x0] =	wrdreg $0xFFFFFFFF;
	(pc) =	sbr.abs _section_cstart, $3  }
0xc0: {  	[dreg:$0x1] =	wrdreg $0xFFFFFFFF  }
0xc1: {  	_ =	task.clear_ibuf [dreg:s6], $0x2FFFF;
	_ =	strace $0x9FFFFFFF  }
0xc2: {  	(tm) =	ssettm $0x7FFFFFFF  }
0xc3: {  	_ =	shalt  }
tec
execute0_lowered:
.L_overlay_start_1:
0x0: {  	(tag) =	ssettag $0x1  }
0x1: {  	s0 =	rddreg [dreg:$0x0];
	s2 =	srdreg.scid  }
0x2: {  	s3 =	stileid.u32;
	s1 =	rddreg [dreg:$0x1];
	s11 =	simm.s32 $0xC350  }
0x3: {  	s12 =	simm.s32 $0x6;
	s13 =	simm.s32 $0x7D0;
	s14 =	simm.s32 $0xE290  }
0x4: {  	s15 =	simm.s32 $0x1;
	s16 =	simm.s32 $0xD2F0;
	s17 =	simm.s32 $0x15F90  }
0x5: {  	s18 =	simm.s32 $0xCB20;
	s19 =	simm.s32 $0x12110;
	s20 =	simm.s32 $0xDAC0  }
0x6: {  	s21 =	simm.s32 $0x19E10;
	s22 =	simm.s32 $0x2;
	s23 =	simm.s32 $0x4  }
0x7: {  	s24 =	simm.s32 $0x3;
	s25 =	simm.s32 $0x5;
	s26 =	simm.s32 $0x0  }
0x8: {  	s4 =	sand.u32 $0x1, s2;
	s5 =	smul.u32 $0x30D40, s3;
	s2 =	simm.s32 $0x0  }
0x9: {  	s28 =	sadd.s32 $0xCA800, s0;
	s8 =	sadd.s32 $0x6000, s0;
	s9 =	sadd.s32 $0x67C00, s0  }
0xa: {  	p0 =	sne.s32 s3, $0x0;
	s6 =	smul.u32 $0x186A0, s4;
	[smem:$0x7FF] =	sst s2  }
0xb: {  	s4 =	ssub.s32 $0x2, s4;
	s3 =	sshrl.u32 @!p0 s1, $0x3;
	_ =	strace $0x80000047  }
0xc: {  	[dreg:$0x4] =	wrdreg s28;
	s30 =	sshrl.u32 s4, $0x1;
	s7 =	sadd.s32 s6, s5  }
0xd: {  	[dreg:$0x6] =	wrdreg s3;
	s4 =	ssub.s32 s4, s30;
	s29 =	sadd.s32 $0x7D0, s7  }
0xe: {  	s0 =	sadd.s32 s7, s0;
	s4 =	smax.u32 s4, $0x1;
	s7 =	sshrl.u32 s7, $0x3  }
0xf: {  	s5 =	sshrl.u32 s29, $0x3;
	[dreg:$0x5] =	wrdreg s4;
	s6 =	sadd.s32 $0xE37D0, s0  }
0x10: {  	s0 =	sadd.s32 $0x3F0BD0, s0;
	s31 =	sadd.s32 s5, s8;
	s5 =	sadd.s32 s5, s9  }
0x11: {  	s8 =	sadd.s32 s7, s8;
	s9 =	sadd.s32 s7, s9;
	[dreg:$0x3] =	wrdreg s31  }
.LBB2_1:
0x12: {  	s4 =	rddreg [dreg:$0x4]  }
0x13: {  	s3 =	simm.s32 @!p0 $0x1C06;
	s7 =	rddreg [dreg:$0x6]  }
0x14: {  	[spmem:s7], [sflag:s3] =	dma.local @!p0 [hbm:s4], $0x186A0  }
0x15: {  	s3 =	simm.s32 @!p0 $0x6  }
0x16: {  	_ =	swait.ge @!p0 [sflag:s3], $0x186A0  }
0x17: {  	[sflag:s3] =	ssyncset.done @!p0 $0x0  }
0x18: {  	p1 =	por $0x1, $0x1;
	[sflag:s3] =	ssyncadd.s32 @!p0 $0xFFFE7960  }
0x19: {  	s3 =	simm.s32 @!p1 $0x2;
	[bflag:$0x0] =	sbarrier.arrive $0xFFFF  }
0x1a: {  	_ =	swait.ge @!p1 [sflag:s3], $0x3E80  }
0x1b: {  	[sflag:s3] =	ssyncset.done @!p1 $0x0  }
0x1c: {  	[sflag:s3] =	ssyncadd.s32 @!p1 $0xFFFFC180;
	s3 =	simm.s32 @!p1 $0x4  }
0x1d: {  	_ =	swait.ge @!p1 [sflag:s3], $0x3E80  }
0x1e: {  	[sflag:s3] =	ssyncset.done @!p1 $0x0  }
0x1f: {  	s4 =	sadd.s32 $0x0, s9;
	[sflag:s3] =	ssyncadd.s32 @!p1 $0xFFFFC180  }
0x20: {  	[tilespmem:s11], [sflag:$0x6] =	stream.linear.gather [hbm4b:s4+s2], $0x7D0, $0x38;
	[tilespmem:$0x1DC90] =	vst v63  }
0x21: {  	_ =	swait.ge [sflag:s12], $0x7D0  }
0x22: {  	[sflag:s12] =	ssyncset.done $0x0  }
0x23: {  	[sflag:s12] =	ssyncadd.s32 $0xFFFFF830  }
0x24: {  	[tilespmem:s14], [sflag:$0x1] =	stream.indirect.gather [spmem:s1], $0x8, s11, s13, $0xb8;
	[tilespmem:$0x1DC90] =	vst v63  }
0x25: {  	_ =	swait.ge [sflag:s15], $0x3E80  }
0x26: {  	[sflag:s15] =	ssyncset.done $0x0  }
0x27: {  	s7 =	sadd.s32 $0xFFFFF830, s6;
	[sflag:s15] =	ssyncadd.s32 $0xFFFFC180  }
0x28: {  	[hbm4b:s7+s2] =	stream.linear.scatter [tilespmem:s14], [sflag:$0x2], $0x3E80, $0x38;
	[tilespmem:$0x1DC90] =	vst v63  }
0x29: {  	s10 =	sadd.s32 $0x0, s8  }
0x2a: {  	[tilespmem:s16], [sflag:$0x6] =	stream.linear.gather [hbm4b:s10+s2], $0x7D0, $0x38;
	[tilespmem:$0x1DC90] =	vst v63  }
0x2b: {  	_ =	swait.ge [sflag:s12], $0x7D0  }
0x2c: {  	[sflag:s12] =	ssyncset.done $0x0  }
0x2d: {  	[sflag:s12] =	ssyncadd.s32 $0xFFFFF830  }
0x2e: {  	[tilespmem:s17], [sflag:$0x1] =	stream.indirect.gather [spmem:s1], $0x8, s16, s13, $0xb8;
	[tilespmem:$0x1DC90] =	vst v63  }
0x2f: {  	_ =	swait.ge [sflag:s15], $0x3E80  }
0x30: {  	[sflag:s15] =	ssyncset.done $0x0  }
0x31: {  	s4 =	sadd.s32 $0xFFFFF830, s0;
	s7 =	simm.s32 @!p1 $0x3;
	[sflag:s15] =	ssyncadd.s32 $0xFFFFC180  }
0x32: {  	[hbm4b:s4+s2] =	stream.linear.scatter [tilespmem:s17], [sflag:$0x4], $0x3E80, $0x38;
	[tilespmem:$0x1DC90] =	vst v63  }
0x33: {  	_ =	swait.ge @!p1 [sflag:s7], $0x3E80  }
0x34: {  	[sflag:s7] =	ssyncset.done @!p1 $0x0  }
0x35: {  	s3 =	simm.s32 @!p1 $0x5;
	[sflag:s7] =	ssyncadd.s32 @!p1 $0xFFFFC180  }
0x36: {  	_ =	swait.ge @!p1 [sflag:s3], $0x3E80  }
0x37: {  	[sflag:s3] =	ssyncset.done @!p1 $0x0  }
0x38: {  	s7 =	sadd.s32 $0x0, s5;
	[sflag:s3] =	ssyncadd.s32 @!p1 $0xFFFFC180  }
0x39: {  	[tilespmem:s18], [sflag:$0x6] =	stream.linear.gather [hbm4b:s7+s2], $0x7D0, $0x38;
	[tilespmem:$0x1DC90] =	vst v63  }
0x3a: {  	_ =	swait.ge [sflag:s12], $0x7D0  }
0x3b: {  	[sflag:s12] =	ssyncset.done $0x0  }
0x3c: {  	[sflag:s12] =	ssyncadd.s32 $0xFFFFF830  }
0x3d: {  	[tilespmem:s19], [sflag:$0x1] =	stream.indirect.gather [spmem:s1], $0x8, s18, s13, $0xb8;
	[tilespmem:$0x1DC90] =	vst v63  }
0x3e: {  	_ =	swait.ge [sflag:s15], $0x3E80  }
0x3f: {  	[sflag:s15] =	ssyncset.done $0x0  }
0x40: {  	s10 =	rddreg [dreg:$0x3];
	[sflag:s15] =	ssyncadd.s32 $0xFFFFC180  }
0x41: {  	[hbm4b:s6+s2] =	stream.linear.scatter [tilespmem:s19], [sflag:$0x3], $0x3E80, $0x38;
	[tilespmem:$0x1DC90] =	vst v63  }
0x42: {  	s3 =	sadd.s32 $0x0, s10  }
0x43: {  	[tilespmem:s20], [sflag:$0x6] =	stream.linear.gather [hbm4b:s3+s2], $0x7D0, $0x38;
	[tilespmem:$0x1DC90] =	vst v63  }
0x44: {  	_ =	swait.ge [sflag:s12], $0x7D0  }
0x45: {  	[sflag:s12] =	ssyncset.done $0x0  }
0x46: {  	s29 =	simm.s32 $0x1F4;
	s31 =	simm.s32 $0x3E8;
	[sflag:s12] =	ssyncadd.s32 $0xFFFFF830  }
0x47: {  	[tilespmem:s21], [sflag:$0x1] =	stream.indirect.gather [spmem:s1], $0x8, s20, s13, $0xb8;
	[tilespmem:$0x1DC90] =	vst v63  }
0x48: {  	s28 =	sadd.s32 $0xFA0, s0;
	s30 =	sadd.s32 $0xFA0, s6;
	_ =	swait.ge [sflag:s15], $0x3E80  }
0x49: {  	p1 =	por $0x0, $0x0;
	s7 =	smov.u32 s0;
	[sflag:s15] =	ssyncset.done $0x0  }
.LBB2_2:
0x4a: {  	s4 =	simm.s32 @!p1 $0x2;
	[sflag:s15] =	ssyncadd.s32 $0xFFFFC180  }
0x4b: {  	[hbm4b:s7+s2] =	stream.linear.scatter [tilespmem:s21], [sflag:$0x5], $0x3E80, $0x38;
	[tilespmem:$0x1DC90] =	vst v63  }
0x4c: {  	_ =	swait.ge @!p1 [sflag:s4], $0x3E80  }
0x4d: {  	[sflag:s4] =	ssyncset.done @!p1 $0x0  }
0x4e: {  	[sflag:s4] =	ssyncadd.s32 @!p1 $0xFFFFC180;
	s4 =	simm.s32 @!p1 $0x4  }
0x4f: {  	_ =	swait.ge @!p1 [sflag:s4], $0x3E80  }
0x50: {  	[sflag:s4] =	ssyncset.done @!p1 $0x0  }
0x51: {  	s10 =	sadd.s32 s29, s9;
	[sflag:s4] =	ssyncadd.s32 @!p1 $0xFFFFC180  }
0x52: {  	[tilespmem:s11], [sflag:$0x6] =	stream.linear.gather [hbm4b:s10+s2], $0x7D0, $0x38;
	[tilespmem:$0x1DC90] =	vst v63  }
0x53: {  	_ =	swait.ge [sflag:s12], $0x7D0  }
0x54: {  	[sflag:s12] =	ssyncset.done $0x0  }
0x55: {  	[sflag:s12] =	ssyncadd.s32 $0xFFFFF830  }
0x56: {  	[tilespmem:s14], [sflag:$0x1] =	stream.indirect.gather [spmem:s1], $0x8, s11, s13, $0xb8;
	[tilespmem:$0x1DC90] =	vst v63  }
0x57: {  	_ =	swait.ge [sflag:s15], $0x3E80  }
0x58: {  	[sflag:s15] =	ssyncset.done $0x0  }
0x59: {  	s10 =	sadd.s32 $0xFFFFF830, s30;
	[sflag:s15] =	ssyncadd.s32 $0xFFFFC180  }
0x5a: {  	[hbm4b:s10+s2] =	stream.linear.scatter [tilespmem:s14], [sflag:$0x2], $0x3E80, $0x38;
	[tilespmem:$0x1DC90] =	vst v63  }
0x5b: {  	s10 =	sadd.s32 s29, s8  }
0x5c: {  	[tilespmem:s16], [sflag:$0x6] =	stream.linear.gather [hbm4b:s10+s2], $0x7D0, $0x38;
	[tilespmem:$0x1DC90] =	vst v63  }
0x5d: {  	_ =	swait.ge [sflag:s12], $0x7D0  }
0x5e: {  	[sflag:s12] =	ssyncset.done $0x0  }
0x5f: {  	[sflag:s12] =	ssyncadd.s32 $0xFFFFF830  }
0x60: {  	[tilespmem:s17], [sflag:$0x1] =	stream.indirect.gather [spmem:s1], $0x8, s16, s13, $0xb8;
	[tilespmem:$0x1DC90] =	vst v63  }
0x61: {  	_ =	swait.ge [sflag:s15], $0x3E80  }
0x62: {  	[sflag:s15] =	ssyncset.done $0x0  }
0x63: {  	s4 =	sadd.s32 $0xFFFFF830, s28;
	s10 =	simm.s32 @!p1 $0x3;
	[sflag:s15] =	ssyncadd.s32 $0xFFFFC180  }
0x64: {  	[hbm4b:s4+s2] =	stream.linear.scatter [tilespmem:s17], [sflag:$0x4], $0x3E80, $0x38;
	[tilespmem:$0x1DC90] =	vst v63  }
0x65: {  	_ =	swait.ge @!p1 [sflag:s10], $0x3E80  }
0x66: {  	[sflag:s10] =	ssyncset.done @!p1 $0x0  }
0x67: {  	s4 =	simm.s32 @!p1 $0x5;
	[sflag:s10] =	ssyncadd.s32 @!p1 $0xFFFFC180  }
0x68: {  	_ =	swait.ge @!p1 [sflag:s4], $0x3E80  }
0x69: {  	[sflag:s4] =	ssyncset.done @!p1 $0x0  }
0x6a: {  	s10 =	sadd.s32 s29, s5;
	[sflag:s4] =	ssyncadd.s32 @!p1 $0xFFFFC180  }
0x6b: {  	[tilespmem:s18], [sflag:$0x6] =	stream.linear.gather [hbm4b:s10+s2], $0x7D0, $0x38;
	[tilespmem:$0x1DC90] =	vst v63  }
0x6c: {  	_ =	swait.ge [sflag:s12], $0x7D0  }
0x6d: {  	[sflag:s12] =	ssyncset.done $0x0  }
0x6e: {  	[sflag:s12] =	ssyncadd.s32 $0xFFFFF830  }
0x6f: {  	[tilespmem:s19], [sflag:$0x1] =	stream.indirect.gather [spmem:s1], $0x8, s18, s13, $0xb8;
	[tilespmem:$0x1DC90] =	vst v63  }
0x70: {  	_ =	swait.ge [sflag:s15], $0x3E80  }
0x71: {  	[sflag:s15] =	ssyncset.done $0x0  }
0x72: {  	s10 =	rddreg [dreg:$0x3];
	[sflag:s15] =	ssyncadd.s32 $0xFFFFC180  }
0x73: {  	[hbm4b:s30+s2] =	stream.linear.scatter [tilespmem:s19], [sflag:$0x3], $0x3E80, $0x38;
	[tilespmem:$0x1DC90] =	vst v63  }
0x74: {  	s3 =	smov.u32 s31;
	s31 =	sadd.s32 $0x1F4, s31;
	s4 =	sadd.s32 s29, s10  }
0x75: {  	[tilespmem:s20], [sflag:$0x6] =	stream.linear.gather [hbm4b:s4+s2], $0x7D0, $0x38;
	[tilespmem:$0x1DC90] =	vst v63  }
0x76: {  	p2 =	sne.s32 s31, $0x30D4;
	_ =	swait.ge [sflag:s12], $0x7D0  }
.Ltmp0:
0x77: {  	[sflag:s12] =	ssyncset.done $0x0;
	(pc) =	sbr.rel @p2 .LBB2_2-.Ltmp0, $4  }
0x78: {  	s7 =	smov.u32 s28;
	[sflag:s12] =	ssyncadd.s32 $0xFFFFF830  }
0x79: {  	[tilespmem:s21], [sflag:$0x1] =	stream.indirect.gather [spmem:s1], $0x8, s20, s13, $0xb8;
	[tilespmem:$0x1DC90] =	vst v63  }
0x7a: {  	s28 =	sadd.s32 $0xFA0, s28;
	s29 =	smov.u32 s3;
	_ =	swait.ge [sflag:s15], $0x3E80  }
0x7b: {  	p1 =	seq.s32 s29, $0x0;
	s30 =	sadd.s32 $0xFA0, s30;
	[sflag:s15] =	ssyncset.done $0x0  }
0x7c: {  	[sflag:s15] =	ssyncadd.s32 $0xFFFFC180;
	s3 =	simm.s32 @!p1 $0x2  }
0x7d: {  	[hbm4b:s7+s2] =	stream.linear.scatter [tilespmem:s21], [sflag:$0x5], $0x3E80, $0x38;
	[tilespmem:$0x1DC90] =	vst v63  }
0x7e: {  	_ =	swait.ge @!p1 [sflag:s3], $0x3E80  }
0x7f: {  	[sflag:s3] =	ssyncset.done @!p1 $0x0  }
0x80: {  	[sflag:s3] =	ssyncadd.s32 @!p1 $0xFFFFC180;
	s3 =	simm.s32 @!p1 $0x4  }
0x81: {  	_ =	swait.ge @!p1 [sflag:s3], $0x3E80  }
0x82: {  	[sflag:s3] =	ssyncset.done @!p1 $0x0  }
0x83: {  	s7 =	sadd.s32 s29, s9;
	[sflag:s3] =	ssyncadd.s32 @!p1 $0xFFFFC180  }
0x84: {  	[tilespmem:s11], [sflag:$0x6] =	stream.linear.gather [hbm4b:s7+s2], $0x7D0, $0x38;
	[tilespmem:$0x1DC90] =	vst v63  }
0x85: {  	_ =	swait.ge [sflag:s12], $0x7D0  }
0x86: {  	[sflag:s12] =	ssyncset.done $0x0  }
0x87: {  	[sflag:s12] =	ssyncadd.s32 $0xFFFFF830  }
0x88: {  	[tilespmem:s14], [sflag:$0x1] =	stream.indirect.gather [spmem:s1], $0x8, s11, s13, $0xb8;
	[tilespmem:$0x1DC90] =	vst v63  }
0x89: {  	_ =	swait.ge [sflag:s15], $0x3E80  }
0x8a: {  	[sflag:s15] =	ssyncset.done $0x0  }
0x8b: {  	s10 =	sadd.s32 $0xFFFFF830, s30;
	[sflag:s15] =	ssyncadd.s32 $0xFFFFC180  }
0x8c: {  	[hbm4b:s10+s2] =	stream.linear.scatter [tilespmem:s14], [sflag:$0x2], $0x3E80, $0x38;
	[tilespmem:$0x1DC90] =	vst v63  }
0x8d: {  	s31 =	sadd.s32 s29, s8  }
0x8e: {  	[tilespmem:s16], [sflag:$0x6] =	stream.linear.gather [hbm4b:s31+s2], $0x7D0, $0x38;
	[tilespmem:$0x1DC90] =	vst v63  }
0x8f: {  	_ =	swait.ge [sflag:s12], $0x7D0  }
0x90: {  	[sflag:s12] =	ssyncset.done $0x0  }
0x91: {  	[sflag:s12] =	ssyncadd.s32 $0xFFFFF830  }
0x92: {  	[tilespmem:s17], [sflag:$0x1] =	stream.indirect.gather [spmem:s1], $0x8, s16, s13, $0xb8;
	[tilespmem:$0x1DC90] =	vst v63  }
0x93: {  	_ =	swait.ge [sflag:s15], $0x3E80  }
0x94: {  	[sflag:s15] =	ssyncset.done $0x0  }
0x95: {  	s4 =	sadd.s32 $0xFFFFF830, s28;
	s3 =	simm.s32 @!p1 $0x3;
	[sflag:s15] =	ssyncadd.s32 $0xFFFFC180  }
0x96: {  	[hbm4b:s4+s2] =	stream.linear.scatter [tilespmem:s17], [sflag:$0x4], $0x3E80, $0x38;
	[tilespmem:$0x1DC90] =	vst v63  }
0x97: {  	_ =	swait.ge @!p1 [sflag:s3], $0x3E80  }
0x98: {  	[sflag:s3] =	ssyncset.done @!p1 $0x0  }
0x99: {  	[sflag:s3] =	ssyncadd.s32 @!p1 $0xFFFFC180;
	s3 =	simm.s32 @!p1 $0x5  }
0x9a: {  	_ =	swait.ge @!p1 [sflag:s3], $0x3E80  }
0x9b: {  	[sflag:s3] =	ssyncset.done @!p1 $0x0  }
0x9c: {  	s7 =	sadd.s32 s29, s5;
	[sflag:s3] =	ssyncadd.s32 @!p1 $0xFFFFC180  }
0x9d: {  	[tilespmem:s18], [sflag:$0x6] =	stream.linear.gather [hbm4b:s7+s2], $0x7D0, $0x38;
	[tilespmem:$0x1DC90] =	vst v63  }
0x9e: {  	_ =	swait.ge [sflag:s12], $0x7D0  }
0x9f: {  	[sflag:s12] =	ssyncset.done $0x0  }
0xa0: {  	[sflag:s12] =	ssyncadd.s32 $0xFFFFF830  }
0xa1: {  	[tilespmem:s19], [sflag:$0x1] =	stream.indirect.gather [spmem:s1], $0x8, s18, s13, $0xb8;
	[tilespmem:$0x1DC90] =	vst v63  }
0xa2: {  	_ =	swait.ge [sflag:s15], $0x3E80  }
0xa3: {  	[sflag:s15] =	ssyncset.done $0x0  }
0xa4: {  	s10 =	rddreg [dreg:$0x3];
	[sflag:s15] =	ssyncadd.s32 $0xFFFFC180  }
0xa5: {  	[hbm4b:s30+s2] =	stream.linear.scatter [tilespmem:s19], [sflag:$0x3], $0x3E80, $0x38;
	[tilespmem:$0x1DC90] =	vst v63  }
0xa6: {  	s3 =	sadd.s32 s29, s10  }
0xa7: {  	[tilespmem:s20], [sflag:$0x6] =	stream.linear.gather [hbm4b:s3+s2], $0x7D0, $0x38;
	[tilespmem:$0x1DC90] =	vst v63  }
0xa8: {  	_ =	swait.ge [sflag:s12], $0x7D0  }
0xa9: {  	[sflag:s12] =	ssyncset.done $0x0  }
0xaa: {  	[sflag:s12] =	ssyncadd.s32 $0xFFFFF830  }
0xab: {  	[tilespmem:s21], [sflag:$0x1] =	stream.indirect.gather [spmem:s1], $0x8, s20, s13, $0xb8;
	[tilespmem:$0x1DC90] =	vst v63  }
0xac: {  	_ =	swait.ge [sflag:s15], $0x3E80  }
0xad: {  	[sflag:s15] =	ssyncset.done $0x0  }
0xae: {  	[sflag:s15] =	ssyncadd.s32 $0xFFFFC180  }
0xaf: {  	[hbm4b:s28+s2] =	stream.linear.scatter [tilespmem:s21], [sflag:$0x5], $0x3E80, $0x38;
	[tilespmem:$0x1DC90] =	vst v63  }
0xb0: {  	_ =	swait.ge [sflag:s22], $0x3E80  }
0xb1: {  	[sflag:s22] =	ssyncset.done $0x0  }
0xb2: {  	[sflag:s22] =	ssyncadd.s32 $0xFFFFC180  }
0xb3: {  	_ =	swait.ge [sflag:s23], $0x3E80  }
0xb4: {  	[sflag:s23] =	ssyncset.done $0x0  }
0xb5: {  	[sflag:s23] =	ssyncadd.s32 $0xFFFFC180  }
0xb6: {  	_ =	swait.ge [sflag:s24], $0x3E80  }
0xb7: {  	[sflag:s24] =	ssyncset.done $0x0  }
0xb8: {  	[sflag:s24] =	ssyncadd.s32 $0xFFFFC180  }
0xb9: {  	_ =	swait.ge [sflag:s25], $0x3E80  }
0xba: {  	s26 =	sadd.s32 $0x1, s26;
	s31 =	rddreg [dreg:$0x5]  }
0xbb: {  	p1 =	sne.s32 s26, s31  }
.Ltmp1:
0xbc: {  	_ = 	snop;
	(pc) =	sbr.rel @p1 .LBB2_1-.Ltmp1, $3  }
0xbd: {  	_ =	sdelay $0x1  }
0xbe: {  	[sflag:s25] =	ssyncset.done $0x0  }
0xbf: {  	[sflag:s25] =	ssyncadd.s32 $0xFFFFC180  }
0xc0: {  	_ =	sfence.sel $0x180000  }
0xc1: {  	[bflag:$0x0] =	sbarrier.arrive $0xFFFF  }
0xc2: {  	_ =	strace $0x90000047  }
0xc3: {  	[bflag:$0x2] =	sbarrier.arrive $0xFFFF  }
0xc4: {  	s0 =	rddreg [dreg:$0x2]  }
0xc5: {  	s0 =	sadd.s32 @!p0 $0x100000, s0  }
0xc6: {  	[sflag:s0] =	ssyncadd.tile.s32 @!p0 $0x1;
	_ =	shalt  }
.Lfunc_end2:
_tile_overlayer_lowered:
.L_overlay_start_2:
0xc7: {  	(tag) =	ssettag $0x2  }
0xc8: {  	s0 =	rddreg [dreg:$0x0];
	s2 =	stileid.u32  }
0xc9: {  	s1 =	rddreg [dreg:$0x1];
	p0 =	sne.s32 s2, $0x0  }
0xca: {  	s3 =	rddreg [dreg:$0x2];
	[bflag:$0x3] =	sbarrier.arrive $0xFFFF;
	s2 =	simm.s32 @!p0 $0x1C06  }
0xcb: {  	[timem:s3], [sflag:s2] =	dma.local @!p0 [hbm:s0], s1  }
0xcc: {  	s0 =	simm.s32 @!p0 $0x6  }
0xcd: {  	_ =	swait.ge @!p0 [sflag:s0], s1  }
0xce: {  	s1 =	ssub.s32 @!p0 $0x0, s1;
	[sflag:s0] =	ssyncset.done @!p0 $0x0  }
0xcf: {  	[sflag:s0] =	ssyncadd.s32 @!p0 s1  }
0xd0: {  	[bflag:$0x3] =	sbarrier.arrive $0xFFFF  }
0xd1: {  	_ =	shalt  }

</sc_bundles>
